<compile_context>
chip_gen: v7x
topology: tpu7x:2x2x1
jax: 0.10.2.dev20260603
libtpu: 0.0.44.dev20260713+nightly
codegen_flags: <defaults>
</compile_context>

<pallas_src>
import functools

import jax
import jax.numpy as jnp
from jax import lax
from jax.experimental import pallas as pl
from jax.experimental.pallas import tpu as pltpu
from jax.experimental.pallas import tpu_sc as plsc

N = 10000
E = 320000
D = 128

NC = 2
NS = 16
NW = NC * NS
EPW = E // NW
C = 80
NCHUNK = EPW // C
NP = 10240
RPT = NP // NS


def _sc_agg(x, src, dst, with_cnt):
    mesh = plsc.VectorSubcoreMesh(core_axis_name="c", subcore_axis_name="s")

    out_type = [jax.ShapeDtypeStruct((NC, NP, D), jnp.float32)]
    scratch = [
        pltpu.VMEM((C,), jnp.int32),
        pltpu.VMEM((C,), jnp.int32),
        pltpu.VMEM((C,), jnp.int32),
        pltpu.VMEM((C,), jnp.int32),
        pltpu.VMEM((C, D), jnp.float32),
        pltpu.VMEM((C, D), jnp.float32),
        pltpu.VMEM_SHARED((NP, D), jnp.float32),
        pltpu.SemaphoreType.DMA,
        pltpu.SemaphoreType.DMA,
        pltpu.SemaphoreType.DMA,
        pltpu.SemaphoreType.DMA,
        pltpu.SemaphoreType.DMA,
        pltpu.SemaphoreType.DMA,
    ]
    if with_cnt:
        out_type.append(jax.ShapeDtypeStruct((NW * NP,), jnp.float32))
        scratch.append(pltpu.VMEM((NP,), jnp.float32))

    @functools.partial(
        pl.kernel, mesh=mesh, out_type=out_type, scratch_types=scratch,
        compiler_params=pltpu.CompilerParams(needs_layout_passes=False))
    def k(x_hbm, src_hbm, dst_hbm, *refs):
        if with_cnt:
            (agg_out, cnt_out, src_a, dst_a, src_b, dst_b, rows_a, rows_b,
             acc, gsem_a, gsem_b, ssem_a, ssem_b, isem_a, isem_b,
             cnt_t) = refs
        else:
            (agg_out, src_a, dst_a, src_b, dst_b, rows_a, rows_b,
             acc, gsem_a, gsem_b, ssem_a, ssem_b, isem_a, isem_b) = refs
        cid = lax.axis_index("c")
        sid = lax.axis_index("s")
        wid = sid * NC + cid

        def zb(i, carry):
            for j in range(D // 16):
                rows_a[i, pl.ds(j * 16, 16)] = jnp.zeros((16,), jnp.float32)
            return carry
        lax.fori_loop(0, C, zb, 0)
        for t in range(RPT // C):
            pltpu.sync_copy(rows_a, acc.at[pl.ds(sid * RPT + t * C, C)])
        if with_cnt:
            def zc(i, carry):
                cnt_t[pl.ds(i * 16, 16)] = jnp.zeros((16,), jnp.float32)
                return carry
            lax.fori_loop(0, NP // 16, zc, 0)
        plsc.subcore_barrier()

        base0 = wid * EPW

        def stage(i, src_c, dst_c, sem):
            pltpu.async_copy(src_hbm.at[pl.ds(base0 + i * C, C)], src_c, sem)
            pltpu.async_copy(dst_hbm.at[pl.ds(base0 + i * C, C)], dst_c, sem)

        def iwait(i, src_c, dst_c, sem):
            pltpu.make_async_copy(
                src_hbm.at[pl.ds(base0 + i * C, C)], src_c, sem).wait()
            pltpu.make_async_copy(
                dst_hbm.at[pl.ds(base0 + i * C, C)], dst_c, sem).wait()

        def gather(buf, src_c, sem):
            pltpu.async_copy(x_hbm.at[src_c], buf, sem)

        def gwait(buf, src_c, sem):
            pltpu.make_async_copy(x_hbm.at[src_c], buf, sem).wait()

        def scat(buf, dst_c, sem):
            pltpu.async_copy(buf, acc.at[dst_c], sem, add=True)

        def swait(buf, dst_c, sem):
            pltpu.make_async_copy(buf, acc.at[dst_c], sem).wait()

        def count(dst_c):
            if with_cnt:
                ones16 = jnp.ones((16,), jnp.float32)
                for k2 in range(C // 16):
                    idx = dst_c[pl.ds(k2 * 16, 16)]
                    plsc.addupdate_scatter(cnt_t, [idx], ones16)

        stage(0, src_a, dst_a, isem_a)
        iwait(0, src_a, dst_a, isem_a)
        gather(rows_a, src_a, gsem_a)
        stage(1, src_b, dst_b, isem_b)

        def body(j, carry):
            i0 = 2 * j
            iwait(i0 + 1, src_b, dst_b, isem_b)
            gather(rows_b, src_b, gsem_b)
            gwait(rows_a, src_a, gsem_a)
            scat(rows_a, dst_a, ssem_a)
            count(dst_a)
            swait(rows_a, dst_a, ssem_a)
            stage(i0 + 2, src_a, dst_a, isem_a)
            gwait(rows_b, src_b, gsem_b)
            scat(rows_b, dst_b, ssem_b)
            count(dst_b)
            iwait(i0 + 2, src_a, dst_a, isem_a)
            gather(rows_a, src_a, gsem_a)
            swait(rows_b, dst_b, ssem_b)
            @pl.when(j + 1 < NCHUNK // 2)
            def _():
                stage(i0 + 3, src_b, dst_b, isem_b)
            return carry
        lax.fori_loop(0, NCHUNK // 2, body, 0)
        gwait(rows_a, src_a, gsem_a)
        pltpu.sync_copy(rows_a, acc.at[dst_a], add=True)
        count(dst_a)
        plsc.subcore_barrier()

        pltpu.sync_copy(acc.at[pl.ds(sid * RPT, RPT)],
                        agg_out.at[cid, pl.ds(sid * RPT, RPT)])
        if with_cnt:
            pltpu.sync_copy(cnt_t, cnt_out.at[pl.ds(wid * NP, NP)])

    return k(x, src, dst)


def _combine_body(p_ref, c_ref, x_ref, wl_ref, b_ref, wr_ref, o_ref, *, relu):
    cnt = jnp.maximum(jnp.sum(c_ref[:], axis=0), 1.0)[:, None]
    mean = (p_ref[0] + p_ref[1]) / cnt
    dn = (((1,), (1,)), ((), ()))
    y = lax.dot_general(mean, wl_ref[:], dn,
                        preferred_element_type=jnp.float32)
    y = y + b_ref[:]
    y = y + lax.dot_general(x_ref[:], wr_ref[:], dn,
                            preferred_element_type=jnp.float32)
    o_ref[:] = jnp.maximum(y, 0.0) if relu else y


def _tc_combine(p, c, x, W_l, b_l, W_r, relu):
    R = 1024
    grid = (NP // R,)
    return pl.pallas_call(
        functools.partial(_combine_body, relu=relu),
        grid=grid,
        in_specs=[
            pl.BlockSpec((NC, R, D), lambda i: (0, i, 0)),
            pl.BlockSpec((NW, R), lambda i: (0, i)),
            pl.BlockSpec((R, D), lambda i: (i, 0)),
            pl.BlockSpec((D, D), lambda i: (0, 0)),
            pl.BlockSpec((1, D), lambda i: (0, 0)),
            pl.BlockSpec((D, D), lambda i: (0, 0)),
        ],
        out_specs=pl.BlockSpec((R, D), lambda i: (i, 0)),
        out_shape=jax.ShapeDtypeStruct((NP, D), jnp.float32),
    )(p, c.reshape(NW, NP), x, W_l, b_l.reshape(1, D), W_r)


def kernel(x, edge_index, W1_l, b1_l, W1_r, W2_l, b2_l, W2_r):
    src = edge_index[0]
    dst = edge_index[1]
    x_p = jnp.pad(x, ((0, NP - N), (0, 0)))
    agg1, cnt = _sc_agg(x, src, dst, with_cnt=True)
    h = _tc_combine(agg1, cnt, x_p, W1_l, b1_l, W1_r, relu=True)
    (agg2,) = _sc_agg(h, src, dst, with_cnt=False)
    out = _tc_combine(agg2, cnt, h, W2_l, b2_l, W2_r, relu=False)
    return out[:N]

# --- scband reference (transcript-rebuilt; emitter-appended) ---
"""Pipeline reference for scband-sagemodel-10960756540206 (READ-ONLY COPY).

The authoritative reference and input builder live on the scoring server;
editing this copy changes nothing except your own understanding.
"""

import jax, jax.numpy as jnp
import numpy as np

N = 10000
E = 320000
D = 128


def setup_inputs(seed: int = 0) -> dict:
    key = jax.random.key(seed)
    ks = jax.random.split(key, 9)
    s = 1.0 / np.sqrt(D)
    x = jax.random.normal(ks[0], (N, D), dtype=jnp.float32)
    edge_index = jax.random.randint(ks[1], (2, E), 0, N, dtype=jnp.int32)
    W1_l = jax.random.uniform(ks[2], (D, D), minval=-s, maxval=s, dtype=jnp.float32)
    b1_l = jax.random.uniform(ks[3], (D,), minval=-s, maxval=s, dtype=jnp.float32)
    W1_r = jax.random.uniform(ks[4], (D, D), minval=-s, maxval=s, dtype=jnp.float32)
    W2_l = jax.random.uniform(ks[5], (D, D), minval=-s, maxval=s, dtype=jnp.float32)
    b2_l = jax.random.uniform(ks[6], (D,), minval=-s, maxval=s, dtype=jnp.float32)
    W2_r = jax.random.uniform(ks[7], (D, D), minval=-s, maxval=s, dtype=jnp.float32)
    return {"x": x, "edge_index": edge_index, "W1_l": W1_l, "b1_l": b1_l, "W1_r": W1_r, "W2_l": W2_l, "b2_l": b2_l, "W2_r": W2_r}


def _sage_conv(x, edge_index, W_l, b_l, W_r):
    # PyG SAGEConv (aggr='mean'): out = lin_l(mean_{j in N(i)} x_j) + lin_r(x_i)
    src = edge_index[0]
    dst = edge_index[1]
    msgs = x[src]  # gather: [E, D]
    agg = jax.ops.segment_sum(msgs, dst, num_segments=N)  # scatter-add: [N, D]
    cnt = jax.ops.segment_sum(jnp.ones((edge_index.shape[1],), dtype=x.dtype), dst, num_segments=N)
    mean = agg / jnp.clip(cnt, 1.0)[:, None]
    return mean @ W_l.T + b_l + x @ W_r.T


def reference(x, edge_index, W1_l, b1_l, W1_r, W2_l, b2_l, W2_r):
    h = jax.nn.relu(_sage_conv(x, edge_index, W1_l, b1_l, W1_r))
    out = _sage_conv(h, edge_index, W2_l, b2_l, W2_r)
    return out

if __name__ == "__main__":
    import jax
    _d = setup_inputs()
    print(jax.jit(kernel)(*tuple(_d.values())))

</pallas_src>

<mosaic_0001>
#map = affine_map<(d0, d1) -> (0, 0)>
#map1 = affine_map<(d0, d1) -> (0)>
#map2 = affine_map<(d0, d1) -> (0, 0, 0)>
module attributes {stable_mosaic.version = 14 : i64} {
  func.func @k(%arg0: i32, %arg1: i32, %arg2: memref<10240x128xf32, #tpu.memory_space<hbm>>, %arg3: memref<320000xi32, #tpu.memory_space<hbm>>, %arg4: memref<320000xi32, #tpu.memory_space<hbm>>, %arg5: memref<2x10240x128xf32, #tpu.memory_space<hbm>>, %arg6: memref<80xi32, #tpu.memory_space<vmem>>, %arg7: memref<80xi32, #tpu.memory_space<vmem>>, %arg8: memref<80xi32, #tpu.memory_space<vmem>>, %arg9: memref<80xi32, #tpu.memory_space<vmem>>, %arg10: memref<80x128xf32, #tpu.memory_space<vmem>>, %arg11: memref<80x128xf32, #tpu.memory_space<vmem>>, %arg12: memref<10240x128xf32, #tpu.memory_space<vmem_shared>>, %arg13: memref<!tpu.dma_semaphore, #tpu.memory_space<semaphore_mem>>, %arg14: memref<!tpu.dma_semaphore, #tpu.memory_space<semaphore_mem>>, %arg15: memref<!tpu.dma_semaphore, #tpu.memory_space<semaphore_mem>>, %arg16: memref<!tpu.dma_semaphore, #tpu.memory_space<semaphore_mem>>, %arg17: memref<!tpu.dma_semaphore, #tpu.memory_space<semaphore_mem>>, %arg18: memref<!tpu.dma_semaphore, #tpu.memory_space<semaphore_mem>>) attributes {dimension_semantics = [#tpu.dimension_semantics<core_parallel>, #tpu.dimension_semantics<subcore_parallel>], iteration_bounds = array<i64: 2, 16>, scalar_prefetch = 0 : i64, scratch_operands = 13 : i64, tpu.core_type = #tpu.core_type<sc_vector_subcore>, window_params = [{transform_indices = #map}, {transform_indices = #map1}, {transform_indices = #map1}, {transform_indices = #map2}]} {
    %mul3A = arith.constant 2 : i32
    %mul3A_0 = arith.muli %arg1, %mul3A : i32
    %add3A = arith.addi %mul3A_0, %arg0 : i32
    %scan3A = arith.constant 0 : i32
    %scan3A_1 = arith.constant 0 : i32
    %scan3A_2 = arith.constant 80 : i32
    %scan3A_3 = arith.addi %scan3A_1, %scan3A_2 : i32
    %scan3A_4 = arith.constant 1 : i32
    scf.for %scan3A_79 = %scan3A_1 to %scan3A_3 step %scan3A_4  : i32 {
      %broadcast_in_dim3A = arith.constant 0.000000e+00 : f32
      %broadcast_in_dim3A_80 = vector.broadcast %broadcast_in_dim3A : f32 to vector<16xf32>
      %swap3A = arith.index_cast %scan3A_79 : i32 to index
      %swap3A_81 = arith.constant 0 : index
      %swap3A_82 = tpu.vector_load %arg10[%swap3A, %swap3A_81] {strides = array<i32>} : memref<80x128xf32, #tpu.memory_space<vmem>>, vector<16xf32>,
      tpu.vector_store %arg10[%swap3A, %swap3A_81], %broadcast_in_dim3A_80 {strides = array<i32>} : memref<80x128xf32, #tpu.memory_space<vmem>>, vector<16xf32>,
      %broadcast_in_dim3A_83 = arith.constant 0.000000e+00 : f32
      %broadcast_in_dim3A_84 = vector.broadcast %broadcast_in_dim3A_83 : f32 to vector<16xf32>
      %swap3A_85 = arith.index_cast %scan3A_79 : i32 to index
      %swap3A_86 = arith.constant 16 : index
      %swap3A_87 = tpu.vector_load %arg10[%swap3A_85, %swap3A_86] {strides = array<i32>} : memref<80x128xf32, #tpu.memory_space<vmem>>, vector<16xf32>,
      tpu.vector_store %arg10[%swap3A_85, %swap3A_86], %broadcast_in_dim3A_84 {strides = array<i32>} : memref<80x128xf32, #tpu.memory_space<vmem>>, vector<16xf32>,
      %broadcast_in_dim3A_88 = arith.constant 0.000000e+00 : f32
      %broadcast_in_dim3A_89 = vector.broadcast %broadcast_in_dim3A_88 : f32 to vector<16xf32>
      %swap3A_90 = arith.index_cast %scan3A_79 : i32 to index
      %swap3A_91 = arith.constant 32 : index
      %swap3A_92 = tpu.vector_load %arg10[%swap3A_90, %swap3A_91] {strides = array<i32>} : memref<80x128xf32, #tpu.memory_space<vmem>>, vector<16xf32>,
      tpu.vector_store %arg10[%swap3A_90, %swap3A_91], %broadcast_in_dim3A_89 {strides = array<i32>} : memref<80x128xf32, #tpu.memory_space<vmem>>, vector<16xf32>,
      %broadcast_in_dim3A_93 = arith.constant 0.000000e+00 : f32
      %broadcast_in_dim3A_94 = vector.broadcast %broadcast_in_dim3A_93 : f32 to vector<16xf32>
      %swap3A_95 = arith.index_cast %scan3A_79 : i32 to index
      %swap3A_96 = arith.constant 48 : index
      %swap3A_97 = tpu.vector_load %arg10[%swap3A_95, %swap3A_96] {strides = array<i32>} : memref<80x128xf32, #tpu.memory_space<vmem>>, vector<16xf32>,
      tpu.vector_store %arg10[%swap3A_95, %swap3A_96], %broadcast_in_dim3A_94 {strides = array<i32>} : memref<80x128xf32, #tpu.memory_space<vmem>>, vector<16xf32>,
      %broadcast_in_dim3A_98 = arith.constant 0.000000e+00 : f32
      %broadcast_in_dim3A_99 = vector.broadcast %broadcast_in_dim3A_98 : f32 to vector<16xf32>
      %swap3A_100 = arith.index_cast %scan3A_79 : i32 to index
      %swap3A_101 = arith.constant 64 : index
      %swap3A_102 = tpu.vector_load %arg10[%swap3A_100, %swap3A_101] {strides = array<i32>} : memref<80x128xf32, #tpu.memory_space<vmem>>, vector<16xf32>,
      tpu.vector_store %arg10[%swap3A_100, %swap3A_101], %broadcast_in_dim3A_99 {strides = array<i32>} : memref<80x128xf32, #tpu.memory_space<vmem>>, vector<16xf32>,
      %broadcast_in_dim3A_103 = arith.constant 0.000000e+00 : f32
      %broadcast_in_dim3A_104 = vector.broadcast %broadcast_in_dim3A_103 : f32 to vector<16xf32>
      %swap3A_105 = arith.index_cast %scan3A_79 : i32 to index
      %swap3A_106 = arith.constant 80 : index
      %swap3A_107 = tpu.vector_load %arg10[%swap3A_105, %swap3A_106] {strides = array<i32>} : memref<80x128xf32, #tpu.memory_space<vmem>>, vector<16xf32>,
      tpu.vector_store %arg10[%swap3A_105, %swap3A_106], %broadcast_in_dim3A_104 {strides = array<i32>} : memref<80x128xf32, #tpu.memory_space<vmem>>, vector<16xf32>,
      %broadcast_in_dim3A_108 = arith.constant 0.000000e+00 : f32
      %broadcast_in_dim3A_109 = vector.broadcast %broadcast_in_dim3A_108 : f32 to vector<16xf32>
      %swap3A_110 = arith.index_cast %scan3A_79 : i32 to index
      %swap3A_111 = arith.constant 96 : index
      %swap3A_112 = tpu.vector_load %arg10[%swap3A_110, %swap3A_111] {strides = array<i32>} : memref<80x128xf32, #tpu.memory_space<vmem>>, vector<16xf32>,
      tpu.vector_store %arg10[%swap3A_110, %swap3A_111], %broadcast_in_dim3A_109 {strides = array<i32>} : memref<80x128xf32, #tpu.memory_space<vmem>>, vector<16xf32>,
      %broadcast_in_dim3A_113 = arith.constant 0.000000e+00 : f32
      %broadcast_in_dim3A_114 = vector.broadcast %broadcast_in_dim3A_113 : f32 to vector<16xf32>
      %swap3A_115 = arith.index_cast %scan3A_79 : i32 to index
      %swap3A_116 = arith.constant 112 : index
      %swap3A_117 = tpu.vector_load %arg10[%swap3A_115, %swap3A_116] {strides = array<i32>} : memref<80x128xf32, #tpu.memory_space<vmem>>, vector<16xf32>,
      tpu.vector_store %arg10[%swap3A_115, %swap3A_116], %broadcast_in_dim3A_114 {strides = array<i32>} : memref<80x128xf32, #tpu.memory_space<vmem>>, vector<16xf32>,
    }
    %scan3A_5 = arith.constant 80 : i32
    %mul3A_6 = arith.constant 640 : i32
    %mul3A_7 = arith.muli %arg1, %mul3A_6 : i32
    %add3A_8 = arith.constant 0 : i32
    %add3A_9 = arith.addi %mul3A_7, %add3A_8 : i32
    "tpu.region"() ({
      %run_scoped3A = tpu.sem_alloc : memref<!tpu.dma_semaphore, #tpu.memory_space<semaphore_mem>>
      %dma_start3A_79 = arith.constant 0 : i32
      %dma_start3A_80 = tpu.memref_slice %arg12[%add3A_9, %dma_start3A_79] : memref<10240x128xf32, #tpu.memory_space<vmem_shared>> -> memref<80x128xf32, #tpu.memory_space<vmem_shared>>
      %dma_start3A_81 = arith.constant 0 : i32
      %dma_start3A_82 = tpu.memref_slice %arg12[%add3A_9, %dma_start3A_81] : memref<10240x128xf32, #tpu.memory_space<vmem_shared>> -> memref<80x128xf32, #tpu.memory_space<vmem_shared>>
      tpu.enqueue_dma source(%arg10 : memref<80x128xf32, #tpu.memory_space<vmem>>) target(%dma_start3A_82 : memref<80x128xf32, #tpu.memory_space<vmem_shared>>) target_semaphore(%run_scoped3A : memref<!tpu.dma_semaphore, #tpu.memory_space<semaphore_mem>>)
      %dma_wait3A_83 = arith.constant 0 : i32
      %dma_wait3A_84 = tpu.memref_slice %arg12[%add3A_9, %dma_wait3A_83] : memref<10240x128xf32, #tpu.memory_space<vmem_shared>> -> memref<80x128xf32, #tpu.memory_space<vmem_shared>>
      %dma_wait3A_85 = arith.constant 0 : i32
      %dma_wait3A_86 = tpu.memref_slice %arg12[%add3A_9, %dma_wait3A_85] : memref<10240x128xf32, #tpu.memory_space<vmem_shared>> -> memref<80x128xf32, #tpu.memory_space<vmem_shared>>
      tpu.wait_dma2 semaphore(%run_scoped3A : memref<!tpu.dma_semaphore, #tpu.memory_space<semaphore_mem>>) src(%arg10 : memref<80x128xf32, #tpu.memory_space<vmem>>) dst(%dma_wait3A_86 : memref<80x128xf32, #tpu.memory_space<vmem_shared>>)
      tpu.yield
    }) : () -> ()
    %mul3A_10 = arith.constant 640 : i32
    %mul3A_11 = arith.muli %arg1, %mul3A_10 : i32
    %add3A_12 = arith.constant 80 : i32
    %add3A_13 = arith.addi %mul3A_11, %add3A_12 : i32
    "tpu.region"() ({
      %run_scoped3A = tpu.sem_alloc : memref<!tpu.dma_semaphore, #tpu.memory_space<semaphore_mem>>
      %dma_start3A_79 = arith.constant 0 : i32
      %dma_start3A_80 = tpu.memref_slice %arg12[%add3A_13, %dma_start3A_79] : memref<10240x128xf32, #tpu.memory_space<vmem_shared>> -> memref<80x128xf32, #tpu.memory_space<vmem_shared>>
      %dma_start3A_81 = arith.constant 0 : i32
      %dma_start3A_82 = tpu.memref_slice %arg12[%add3A_13, %dma_start3A_81] : memref<10240x128xf32, #tpu.memory_space<vmem_shared>> -> memref<80x128xf32, #tpu.memory_space<vmem_shared>>
      tpu.enqueue_dma source(%arg10 : memref<80x128xf32, #tpu.memory_space<vmem>>) target(%dma_start3A_82 : memref<80x128xf32, #tpu.memory_space<vmem_shared>>) target_semaphore(%run_scoped3A : memref<!tpu.dma_semaphore, #tpu.memory_space<semaphore_mem>>)
      %dma_wait3A_83 = arith.constant 0 : i32
      %dma_wait3A_84 = tpu.memref_slice %arg12[%add3A_13, %dma_wait3A_83] : memref<10240x128xf32, #tpu.memory_space<vmem_shared>> -> memref<80x128xf32, #tpu.memory_space<vmem_shared>>
      %dma_wait3A_85 = arith.constant 0 : i32
      %dma_wait3A_86 = tpu.memref_slice %arg12[%add3A_13, %dma_wait3A_85] : memref<10240x128xf32, #tpu.memory_space<vmem_shared>> -> memref<80x128xf32, #tpu.memory_space<vmem_shared>>
      tpu.wait_dma2 semaphore(%run_scoped3A : memref<!tpu.dma_semaphore, #tpu.memory_space<semaphore_mem>>) src(%arg10 : memref<80x128xf32, #tpu.memory_space<vmem>>) dst(%dma_wait3A_86 : memref<80x128xf32, #tpu.memory_space<vmem_shared>>)
      tpu.yield
    }) : () -> ()
    %mul3A_14 = arith.constant 640 : i32
    %mul3A_15 = arith.muli %arg1, %mul3A_14 : i32
    %add3A_16 = arith.constant 160 : i32
    %add3A_17 = arith.addi %mul3A_15, %add3A_16 : i32
    "tpu.region"() ({
      %run_scoped3A = tpu.sem_alloc : memref<!tpu.dma_semaphore, #tpu.memory_space<semaphore_mem>>
      %dma_start3A_79 = arith.constant 0 : i32
      %dma_start3A_80 = tpu.memref_slice %arg12[%add3A_17, %dma_start3A_79] : memref<10240x128xf32, #tpu.memory_space<vmem_shared>> -> memref<80x128xf32, #tpu.memory_space<vmem_shared>>
      %dma_start3A_81 = arith.constant 0 : i32
      %dma_start3A_82 = tpu.memref_slice %arg12[%add3A_17, %dma_start3A_81] : memref<10240x128xf32, #tpu.memory_space<vmem_shared>> -> memref<80x128xf32, #tpu.memory_space<vmem_shared>>
      tpu.enqueue_dma source(%arg10 : memref<80x128xf32, #tpu.memory_space<vmem>>) target(%dma_start3A_82 : memref<80x128xf32, #tpu.memory_space<vmem_shared>>) target_semaphore(%run_scoped3A : memref<!tpu.dma_semaphore, #tpu.memory_space<semaphore_mem>>)
      %dma_wait3A_83 = arith.constant 0 : i32
      %dma_wait3A_84 = tpu.memref_slice %arg12[%add3A_17, %dma_wait3A_83] : memref<10240x128xf32, #tpu.memory_space<vmem_shared>> -> memref<80x128xf32, #tpu.memory_space<vmem_shared>>
      %dma_wait3A_85 = arith.constant 0 : i32
      %dma_wait3A_86 = tpu.memref_slice %arg12[%add3A_17, %dma_wait3A_85] : memref<10240x128xf32, #tpu.memory_space<vmem_shared>> -> memref<80x128xf32, #tpu.memory_space<vmem_shared>>
      tpu.wait_dma2 semaphore(%run_scoped3A : memref<!tpu.dma_semaphore, #tpu.memory_space<semaphore_mem>>) src(%arg10 : memref<80x128xf32, #tpu.memory_space<vmem>>) dst(%dma_wait3A_86 : memref<80x128xf32, #tpu.memory_space<vmem_shared>>)
      tpu.yield
    }) : () -> ()
    %mul3A_18 = arith.constant 640 : i32
    %mul3A_19 = arith.muli %arg1, %mul3A_18 : i32
    %add3A_20 = arith.constant 240 : i32
    %add3A_21 = arith.addi %mul3A_19, %add3A_20 : i32
    "tpu.region"() ({
      %run_scoped3A = tpu.sem_alloc : memref<!tpu.dma_semaphore, #tpu.memory_space<semaphore_mem>>
      %dma_start3A_79 = arith.constant 0 : i32
      %dma_start3A_80 = tpu.memref_slice %arg12[%add3A_21, %dma_start3A_79] : memref<10240x128xf32, #tpu.memory_space<vmem_shared>> -> memref<80x128xf32, #tpu.memory_space<vmem_shared>>
      %dma_start3A_81 = arith.constant 0 : i32
      %dma_start3A_82 = tpu.memref_slice %arg12[%add3A_21, %dma_start3A_81] : memref<10240x128xf32, #tpu.memory_space<vmem_shared>> -> memref<80x128xf32, #tpu.memory_space<vmem_shared>>
      tpu.enqueue_dma source(%arg10 : memref<80x128xf32, #tpu.memory_space<vmem>>) target(%dma_start3A_82 : memref<80x128xf32, #tpu.memory_space<vmem_shared>>) target_semaphore(%run_scoped3A : memref<!tpu.dma_semaphore, #tpu.memory_space<semaphore_mem>>)
      %dma_wait3A_83 = arith.constant 0 : i32
      %dma_wait3A_84 = tpu.memref_slice %arg12[%add3A_21, %dma_wait3A_83] : memref<10240x128xf32, #tpu.memory_space<vmem_shared>> -> memref<80x128xf32, #tpu.memory_space<vmem_shared>>
      %dma_wait3A_85 = arith.constant 0 : i32
      %dma_wait3A_86 = tpu.memref_slice %arg12[%add3A_21, %dma_wait3A_85] : memref<10240x128xf32, #tpu.memory_space<vmem_shared>> -> memref<80x128xf32, #tpu.memory_space<vmem_shared>>
      tpu.wait_dma2 semaphore(%run_scoped3A : memref<!tpu.dma_semaphore, #tpu.memory_space<semaphore_mem>>) src(%arg10 : memref<80x128xf32, #tpu.memory_space<vmem>>) dst(%dma_wait3A_86 : memref<80x128xf32, #tpu.memory_space<vmem_shared>>)
      tpu.yield
    }) : () -> ()
    %mul3A_22 = arith.constant 640 : i32
    %mul3A_23 = arith.muli %arg1, %mul3A_22 : i32
    %add3A_24 = arith.constant 320 : i32
    %add3A_25 = arith.addi %mul3A_23, %add3A_24 : i32
    "tpu.region"() ({
      %run_scoped3A = tpu.sem_alloc : memref<!tpu.dma_semaphore, #tpu.memory_space<semaphore_mem>>
      %dma_start3A_79 = arith.constant 0 : i32
      %dma_start3A_80 = tpu.memref_slice %arg12[%add3A_25, %dma_start3A_79] : memref<10240x128xf32, #tpu.memory_space<vmem_shared>> -> memref<80x128xf32, #tpu.memory_space<vmem_shared>>
      %dma_start3A_81 = arith.constant 0 : i32
      %dma_start3A_82 = tpu.memref_slice %arg12[%add3A_25, %dma_start3A_81] : memref<10240x128xf32, #tpu.memory_space<vmem_shared>> -> memref<80x128xf32, #tpu.memory_space<vmem_shared>>
      tpu.enqueue_dma source(%arg10 : memref<80x128xf32, #tpu.memory_space<vmem>>) target(%dma_start3A_82 : memref<80x128xf32, #tpu.memory_space<vmem_shared>>) target_semaphore(%run_scoped3A : memref<!tpu.dma_semaphore, #tpu.memory_space<semaphore_mem>>)
      %dma_wait3A_83 = arith.constant 0 : i32
      %dma_wait3A_84 = tpu.memref_slice %arg12[%add3A_25, %dma_wait3A_83] : memref<10240x128xf32, #tpu.memory_space<vmem_shared>> -> memref<80x128xf32, #tpu.memory_space<vmem_shared>>
      %dma_wait3A_85 = arith.constant 0 : i32
      %dma_wait3A_86 = tpu.memref_slice %arg12[%add3A_25, %dma_wait3A_85] : memref<10240x128xf32, #tpu.memory_space<vmem_shared>> -> memref<80x128xf32, #tpu.memory_space<vmem_shared>>
      tpu.wait_dma2 semaphore(%run_scoped3A : memref<!tpu.dma_semaphore, #tpu.memory_space<semaphore_mem>>) src(%arg10 : memref<80x128xf32, #tpu.memory_space<vmem>>) dst(%dma_wait3A_86 : memref<80x128xf32, #tpu.memory_space<vmem_shared>>)
      tpu.yield
    }) : () -> ()
    %mul3A_26 = arith.constant 640 : i32
    %mul3A_27 = arith.muli %arg1, %mul3A_26 : i32
    %add3A_28 = arith.constant 400 : i32
    %add3A_29 = arith.addi %mul3A_27, %add3A_28 : i32
    "tpu.region"() ({
      %run_scoped3A = tpu.sem_alloc : memref<!tpu.dma_semaphore, #tpu.memory_space<semaphore_mem>>
      %dma_start3A_79 = arith.constant 0 : i32
      %dma_start3A_80 = tpu.memref_slice %arg12[%add3A_29, %dma_start3A_79] : memref<10240x128xf32, #tpu.memory_space<vmem_shared>> -> memref<80x128xf32, #tpu.memory_space<vmem_shared>>
      %dma_start3A_81 = arith.constant 0 : i32
      %dma_start3A_82 = tpu.memref_slice %arg12[%add3A_29, %dma_start3A_81] : memref<10240x128xf32, #tpu.memory_space<vmem_shared>> -> memref<80x128xf32, #tpu.memory_space<vmem_shared>>
      tpu.enqueue_dma source(%arg10 : memref<80x128xf32, #tpu.memory_space<vmem>>) target(%dma_start3A_82 : memref<80x128xf32, #tpu.memory_space<vmem_shared>>) target_semaphore(%run_scoped3A : memref<!tpu.dma_semaphore, #tpu.memory_space<semaphore_mem>>)
      %dma_wait3A_83 = arith.constant 0 : i32
      %dma_wait3A_84 = tpu.memref_slice %arg12[%add3A_29, %dma_wait3A_83] : memref<10240x128xf32, #tpu.memory_space<vmem_shared>> -> memref<80x128xf32, #tpu.memory_space<vmem_shared>>
      %dma_wait3A_85 = arith.constant 0 : i32
      %dma_wait3A_86 = tpu.memref_slice %arg12[%add3A_29, %dma_wait3A_85] : memref<10240x128xf32, #tpu.memory_space<vmem_shared>> -> memref<80x128xf32, #tpu.memory_space<vmem_shared>>
      tpu.wait_dma2 semaphore(%run_scoped3A : memref<!tpu.dma_semaphore, #tpu.memory_space<semaphore_mem>>) src(%arg10 : memref<80x128xf32, #tpu.memory_space<vmem>>) dst(%dma_wait3A_86 : memref<80x128xf32, #tpu.memory_space<vmem_shared>>)
      tpu.yield
    }) : () -> ()
    %mul3A_30 = arith.constant 640 : i32
    %mul3A_31 = arith.muli %arg1, %mul3A_30 : i32
    %add3A_32 = arith.constant 480 : i32
    %add3A_33 = arith.addi %mul3A_31, %add3A_32 : i32
    "tpu.region"() ({
      %run_scoped3A = tpu.sem_alloc : memref<!tpu.dma_semaphore, #tpu.memory_space<semaphore_mem>>
      %dma_start3A_79 = arith.constant 0 : i32
      %dma_start3A_80 = tpu.memref_slice %arg12[%add3A_33, %dma_start3A_79] : memref<10240x128xf32, #tpu.memory_space<vmem_shared>> -> memref<80x128xf32, #tpu.memory_space<vmem_shared>>
      %dma_start3A_81 = arith.constant 0 : i32
      %dma_start3A_82 = tpu.memref_slice %arg12[%add3A_33, %dma_start3A_81] : memref<10240x128xf32, #tpu.memory_space<vmem_shared>> -> memref<80x128xf32, #tpu.memory_space<vmem_shared>>
      tpu.enqueue_dma source(%arg10 : memref<80x128xf32, #tpu.memory_space<vmem>>) target(%dma_start3A_82 : memref<80x128xf32, #tpu.memory_space<vmem_shared>>) target_semaphore(%run_scoped3A : memref<!tpu.dma_semaphore, #tpu.memory_space<semaphore_mem>>)
      %dma_wait3A_83 = arith.constant 0 : i32
      %dma_wait3A_84 = tpu.memref_slice %arg12[%add3A_33, %dma_wait3A_83] : memref<10240x128xf32, #tpu.memory_space<vmem_shared>> -> memref<80x128xf32, #tpu.memory_space<vmem_shared>>
      %dma_wait3A_85 = arith.constant 0 : i32
      %dma_wait3A_86 = tpu.memref_slice %arg12[%add3A_33, %dma_wait3A_85] : memref<10240x128xf32, #tpu.memory_space<vmem_shared>> -> memref<80x128xf32, #tpu.memory_space<vmem_shared>>
      tpu.wait_dma2 semaphore(%run_scoped3A : memref<!tpu.dma_semaphore, #tpu.memory_space<semaphore_mem>>) src(%arg10 : memref<80x128xf32, #tpu.memory_space<vmem>>) dst(%dma_wait3A_86 : memref<80x128xf32, #tpu.memory_space<vmem_shared>>)
      tpu.yield
    }) : () -> ()
    %mul3A_34 = arith.constant 640 : i32
    %mul3A_35 = arith.muli %arg1, %mul3A_34 : i32
    %add3A_36 = arith.constant 560 : i32
    %add3A_37 = arith.addi %mul3A_35, %add3A_36 : i32
    "tpu.region"() ({
      %run_scoped3A = tpu.sem_alloc : memref<!tpu.dma_semaphore, #tpu.memory_space<semaphore_mem>>
      %dma_start3A_79 = arith.constant 0 : i32
      %dma_start3A_80 = tpu.memref_slice %arg12[%add3A_37, %dma_start3A_79] : memref<10240x128xf32, #tpu.memory_space<vmem_shared>> -> memref<80x128xf32, #tpu.memory_space<vmem_shared>>
      %dma_start3A_81 = arith.constant 0 : i32
      %dma_start3A_82 = tpu.memref_slice %arg12[%add3A_37, %dma_start3A_81] : memref<10240x128xf32, #tpu.memory_space<vmem_shared>> -> memref<80x128xf32, #tpu.memory_space<vmem_shared>>
      tpu.enqueue_dma source(%arg10 : memref<80x128xf32, #tpu.memory_space<vmem>>) target(%dma_start3A_82 : memref<80x128xf32, #tpu.memory_space<vmem_shared>>) target_semaphore(%run_scoped3A : memref<!tpu.dma_semaphore, #tpu.memory_space<semaphore_mem>>)
      %dma_wait3A_83 = arith.constant 0 : i32
      %dma_wait3A_84 = tpu.memref_slice %arg12[%add3A_37, %dma_wait3A_83] : memref<10240x128xf32, #tpu.memory_space<vmem_shared>> -> memref<80x128xf32, #tpu.memory_space<vmem_shared>>
      %dma_wait3A_85 = arith.constant 0 : i32
      %dma_wait3A_86 = tpu.memref_slice %arg12[%add3A_37, %dma_wait3A_85] : memref<10240x128xf32, #tpu.memory_space<vmem_shared>> -> memref<80x128xf32, #tpu.memory_space<vmem_shared>>
      tpu.wait_dma2 semaphore(%run_scoped3A : memref<!tpu.dma_semaphore, #tpu.memory_space<semaphore_mem>>) src(%arg10 : memref<80x128xf32, #tpu.memory_space<vmem>>) dst(%dma_wait3A_86 : memref<80x128xf32, #tpu.memory_space<vmem_shared>>)
      tpu.yield
    }) : () -> ()
    %barrier3A = arith.constant 0 : index
    tpu.barrier barrier_id(%barrier3A)
    %mul3A_38 = arith.constant 10000 : i32
    %mul3A_39 = arith.muli %add3A, %mul3A_38 : i32
    %add3A_40 = arith.constant 0 : i32
    %add3A_41 = arith.addi %mul3A_39, %add3A_40 : i32
    %dma_start3A = tpu.memref_slice %arg3[%add3A_41] : memref<320000xi32, #tpu.memory_space<hbm>> -> memref<80xi32, #tpu.memory_space<hbm>>
    %dma_start3A_42 = tpu.memref_slice %arg3[%add3A_41] : memref<320000xi32, #tpu.memory_space<hbm>> -> memref<80xi32, #tpu.memory_space<hbm>>
    tpu.enqueue_dma source(%dma_start3A_42 : memref<80xi32, #tpu.memory_space<hbm>>) target(%arg6 : memref<80xi32, #tpu.memory_space<vmem>>) target_semaphore(%arg17 : memref<!tpu.dma_semaphore, #tpu.memory_space<semaphore_mem>>)
    %add3A_43 = arith.constant 0 : i32
    %add3A_44 = arith.addi %mul3A_39, %add3A_43 : i32
    %dma_start3A_45 = tpu.memref_slice %arg4[%add3A_44] : memref<320000xi32, #tpu.memory_space<hbm>> -> memref<80xi32, #tpu.memory_space<hbm>>
    %dma_start3A_46 = tpu.memref_slice %arg4[%add3A_44] : memref<320000xi32, #tpu.memory_space<hbm>> -> memref<80xi32, #tpu.memory_space<hbm>>
    tpu.enqueue_dma source(%dma_start3A_46 : memref<80xi32, #tpu.memory_space<hbm>>) target(%arg7 : memref<80xi32, #tpu.memory_space<vmem>>) target_semaphore(%arg17 : memref<!tpu.dma_semaphore, #tpu.memory_space<semaphore_mem>>)
    %add3A_47 = arith.constant 0 : i32
    %add3A_48 = arith.addi %mul3A_39, %add3A_47 : i32
    %dma_wait3A = tpu.memref_slice %arg3[%add3A_48] : memref<320000xi32, #tpu.memory_space<hbm>> -> memref<80xi32, #tpu.memory_space<hbm>>
    %dma_wait3A_49 = tpu.memref_slice %arg3[%add3A_48] : memref<320000xi32, #tpu.memory_space<hbm>> -> memref<80xi32, #tpu.memory_space<hbm>>
    tpu.wait_dma2 semaphore(%arg17 : memref<!tpu.dma_semaphore, #tpu.memory_space<semaphore_mem>>) src(%dma_wait3A_49 : memref<80xi32, #tpu.memory_space<hbm>>) dst(%arg6 : memref<80xi32, #tpu.memory_space<vmem>>)
    %add3A_50 = arith.constant 0 : i32
    %add3A_51 = arith.addi %mul3A_39, %add3A_50 : i32
    %dma_wait3A_52 = tpu.memref_slice %arg4[%add3A_51] : memref<320000xi32, #tpu.memory_space<hbm>> -> memref<80xi32, #tpu.memory_space<hbm>>
    %dma_wait3A_53 = tpu.memref_slice %arg4[%add3A_51] : memref<320000xi32, #tpu.memory_space<hbm>> -> memref<80xi32, #tpu.memory_space<hbm>>
    tpu.wait_dma2 semaphore(%arg17 : memref<!tpu.dma_semaphore, #tpu.memory_space<semaphore_mem>>) src(%dma_wait3A_53 : memref<80xi32, #tpu.memory_space<hbm>>) dst(%arg7 : memref<80xi32, #tpu.memory_space<vmem>>)
    %dma_start3A_54 = arith.constant 0 : i32
    %dma_start3A_55 = arith.constant 0 : i32
    %dma_start3A_56 = tpu.memref_slice %arg2[%dma_start3A_54, %dma_start3A_55] : memref<10240x128xf32, #tpu.memory_space<hbm>> -> memref<10240x128xf32, #tpu.memory_space<hbm>>
    tpu.enqueue_indirect_dma source(%dma_start3A_56 : memref<10240x128xf32, #tpu.memory_space<hbm>>) target(%arg10 : memref<80x128xf32, #tpu.memory_space<vmem>>) offsets(%arg6 : memref<80xi32, #tpu.memory_space<vmem>>) semaphore(%arg13 : memref<!tpu.dma_semaphore, #tpu.memory_space<semaphore_mem>>)
    %add3A_57 = arith.constant 80 : i32
    %add3A_58 = arith.addi %mul3A_39, %add3A_57 : i32
    %dma_start3A_59 = tpu.memref_slice %arg3[%add3A_58] : memref<320000xi32, #tpu.memory_space<hbm>> -> memref<80xi32, #tpu.memory_space<hbm>>
    %dma_start3A_60 = tpu.memref_slice %arg3[%add3A_58] : memref<320000xi32, #tpu.memory_space<hbm>> -> memref<80xi32, #tpu.memory_space<hbm>>
    tpu.enqueue_dma source(%dma_start3A_60 : memref<80xi32, #tpu.memory_space<hbm>>) target(%arg8 : memref<80xi32, #tpu.memory_space<vmem>>) target_semaphore(%arg18 : memref<!tpu.dma_semaphore, #tpu.memory_space<semaphore_mem>>)
    %add3A_61 = arith.constant 80 : i32
    %add3A_62 = arith.addi %mul3A_39, %add3A_61 : i32
    %dma_start3A_63 = tpu.memref_slice %arg4[%add3A_62] : memref<320000xi32, #tpu.memory_space<hbm>> -> memref<80xi32, #tpu.memory_space<hbm>>
    %dma_start3A_64 = tpu.memref_slice %arg4[%add3A_62] : memref<320000xi32, #tpu.memory_space<hbm>> -> memref<80xi32, #tpu.memory_space<hbm>>
    tpu.enqueue_dma source(%dma_start3A_64 : memref<80xi32, #tpu.memory_space<hbm>>) target(%arg9 : memref<80xi32, #tpu.memory_space<vmem>>) target_semaphore(%arg18 : memref<!tpu.dma_semaphore, #tpu.memory_space<semaphore_mem>>)
    %scan3A_65 = arith.constant 0 : i32
    %scan3A_66 = arith.constant 0 : i32
    %scan3A_67 = arith.constant 62 : i32
    %scan3A_68 = arith.addi %scan3A_66, %scan3A_67 : i32
    %scan3A_69 = arith.constant 1 : i32
    scf.for %scan3A_79 = %scan3A_66 to %scan3A_68 step %scan3A_69  : i32 {
      %mul3A_80 = arith.constant 2 : i32
      %mul3A_81 = arith.muli %mul3A_80, %scan3A_79 : i32
      %add3A_82 = arith.constant 1 : i32
      %add3A_83 = arith.addi %mul3A_81, %add3A_82 : i32
      %mul3A_84 = arith.constant 80 : i32
      %mul3A_85 = arith.muli %add3A_83, %mul3A_84 : i32
      %add3A_86 = arith.addi %mul3A_39, %mul3A_85 : i32
      %dma_wait3A_87 = tpu.memref_slice %arg3[%add3A_86] : memref<320000xi32, #tpu.memory_space<hbm>> -> memref<80xi32, #tpu.memory_space<hbm>>
      %dma_wait3A_88 = tpu.memref_slice %arg3[%add3A_86] : memref<320000xi32, #tpu.memory_space<hbm>> -> memref<80xi32, #tpu.memory_space<hbm>>
      tpu.wait_dma2 semaphore(%arg18 : memref<!tpu.dma_semaphore, #tpu.memory_space<semaphore_mem>>) src(%dma_wait3A_88 : memref<80xi32, #tpu.memory_space<hbm>>) dst(%arg8 : memref<80xi32, #tpu.memory_space<vmem>>)
      %mul3A_89 = arith.constant 80 : i32
      %mul3A_90 = arith.muli %add3A_83, %mul3A_89 : i32
      %add3A_91 = arith.addi %mul3A_39, %mul3A_90 : i32
      %dma_wait3A_92 = tpu.memref_slice %arg4[%add3A_91] : memref<320000xi32, #tpu.memory_space<hbm>> -> memref<80xi32, #tpu.memory_space<hbm>>
      %dma_wait3A_93 = tpu.memref_slice %arg4[%add3A_91] : memref<320000xi32, #tpu.memory_space<hbm>> -> memref<80xi32, #tpu.memory_space<hbm>>
      tpu.wait_dma2 semaphore(%arg18 : memref<!tpu.dma_semaphore, #tpu.memory_space<semaphore_mem>>) src(%dma_wait3A_93 : memref<80xi32, #tpu.memory_space<hbm>>) dst(%arg9 : memref<80xi32, #tpu.memory_space<vmem>>)
      %dma_start3A_94 = arith.constant 0 : i32
      %dma_start3A_95 = arith.constant 0 : i32
      %dma_start3A_96 = tpu.memref_slice %arg2[%dma_start3A_94, %dma_start3A_95] : memref<10240x128xf32, #tpu.memory_space<hbm>> -> memref<10240x128xf32, #tpu.memory_space<hbm>>
      tpu.enqueue_indirect_dma source(%dma_start3A_96 : memref<10240x128xf32, #tpu.memory_space<hbm>>) target(%arg11 : memref<80x128xf32, #tpu.memory_space<vmem>>) offsets(%arg8 : memref<80xi32, #tpu.memory_space<vmem>>) semaphore(%arg14 : memref<!tpu.dma_semaphore, #tpu.memory_space<semaphore_mem>>)
      %dma_wait3A_97 = arith.constant 0 : i32
      %dma_wait3A_98 = arith.constant 0 : i32
      %dma_wait3A_99 = tpu.memref_slice %arg2[%dma_wait3A_97, %dma_wait3A_98] : memref<10240x128xf32, #tpu.memory_space<hbm>> -> memref<10240x128xf32, #tpu.memory_space<hbm>>
      tpu.wait_indirect_dma semaphore(%arg13 : memref<!tpu.dma_semaphore, #tpu.memory_space<semaphore_mem>>) src(%dma_wait3A_99 : memref<10240x128xf32, #tpu.memory_space<hbm>>) dst(%arg10 : memref<80x128xf32, #tpu.memory_space<vmem>>)
      %dma_start3A_100 = arith.constant 0 : i32
      %dma_start3A_101 = arith.constant 0 : i32
      %dma_start3A_102 = tpu.memref_slice %arg12[%dma_start3A_100, %dma_start3A_101] : memref<10240x128xf32, #tpu.memory_space<vmem_shared>> -> memref<10240x128xf32, #tpu.memory_space<vmem_shared>>
      tpu.enqueue_indirect_dma source(%arg10 : memref<80x128xf32, #tpu.memory_space<vmem>>) target(%dma_start3A_102 : memref<10240x128xf32, #tpu.memory_space<vmem_shared>>) offsets(%arg7 : memref<80xi32, #tpu.memory_space<vmem>>) semaphore(%arg15 : memref<!tpu.dma_semaphore, #tpu.memory_space<semaphore_mem>>) {add = true}
      %dma_wait3A_103 = arith.constant 0 : i32
      %dma_wait3A_104 = arith.constant 0 : i32
      %dma_wait3A_105 = tpu.memref_slice %arg12[%dma_wait3A_103, %dma_wait3A_104] : memref<10240x128xf32, #tpu.memory_space<vmem_shared>> -> memref<10240x128xf32, #tpu.memory_space<vmem_shared>>
      tpu.wait_indirect_dma semaphore(%arg15 : memref<!tpu.dma_semaphore, #tpu.memory_space<semaphore_mem>>) src(%arg10 : memref<80x128xf32, #tpu.memory_space<vmem>>) dst(%dma_wait3A_105 : memref<10240x128xf32, #tpu.memory_space<vmem_shared>>)
      %add3A_106 = arith.constant 2 : i32
      %add3A_107 = arith.addi %mul3A_81, %add3A_106 : i32
      %mul3A_108 = arith.constant 80 : i32
      %mul3A_109 = arith.muli %add3A_107, %mul3A_108 : i32
      %add3A_110 = arith.addi %mul3A_39, %mul3A_109 : i32
      %dma_start3A_111 = tpu.memref_slice %arg3[%add3A_110] : memref<320000xi32, #tpu.memory_space<hbm>> -> memref<80xi32, #tpu.memory_space<hbm>>
      %dma_start3A_112 = tpu.memref_slice %arg3[%add3A_110] : memref<320000xi32, #tpu.memory_space<hbm>> -> memref<80xi32, #tpu.memory_space<hbm>>
      tpu.enqueue_dma source(%dma_start3A_112 : memref<80xi32, #tpu.memory_space<hbm>>) target(%arg6 : memref<80xi32, #tpu.memory_space<vmem>>) target_semaphore(%arg17 : memref<!tpu.dma_semaphore, #tpu.memory_space<semaphore_mem>>)
      %mul3A_113 = arith.constant 80 : i32
      %mul3A_114 = arith.muli %add3A_107, %mul3A_113 : i32
      %add3A_115 = arith.addi %mul3A_39, %mul3A_114 : i32
      %dma_start3A_116 = tpu.memref_slice %arg4[%add3A_115] : memref<320000xi32, #tpu.memory_space<hbm>> -> memref<80xi32, #tpu.memory_space<hbm>>
      %dma_start3A_117 = tpu.memref_slice %arg4[%add3A_115] : memref<320000xi32, #tpu.memory_space<hbm>> -> memref<80xi32, #tpu.memory_space<hbm>>
      tpu.enqueue_dma source(%dma_start3A_117 : memref<80xi32, #tpu.memory_space<hbm>>) target(%arg7 : memref<80xi32, #tpu.memory_space<vmem>>) target_semaphore(%arg17 : memref<!tpu.dma_semaphore, #tpu.memory_space<semaphore_mem>>)
      %dma_wait3A_118 = arith.constant 0 : i32
      %dma_wait3A_119 = arith.constant 0 : i32
      %dma_wait3A_120 = tpu.memref_slice %arg2[%dma_wait3A_118, %dma_wait3A_119] : memref<10240x128xf32, #tpu.memory_space<hbm>> -> memref<10240x128xf32, #tpu.memory_space<hbm>>
      tpu.wait_indirect_dma semaphore(%arg14 : memref<!tpu.dma_semaphore, #tpu.memory_space<semaphore_mem>>) src(%dma_wait3A_120 : memref<10240x128xf32, #tpu.memory_space<hbm>>) dst(%arg11 : memref<80x128xf32, #tpu.memory_space<vmem>>)
      %dma_start3A_121 = arith.constant 0 : i32
      %dma_start3A_122 = arith.constant 0 : i32
      %dma_start3A_123 = tpu.memref_slice %arg12[%dma_start3A_121, %dma_start3A_122] : memref<10240x128xf32, #tpu.memory_space<vmem_shared>> -> memref<10240x128xf32, #tpu.memory_space<vmem_shared>>
      tpu.enqueue_indirect_dma source(%arg11 : memref<80x128xf32, #tpu.memory_space<vmem>>) target(%dma_start3A_123 : memref<10240x128xf32, #tpu.memory_space<vmem_shared>>) offsets(%arg9 : memref<80xi32, #tpu.memory_space<vmem>>) semaphore(%arg16 : memref<!tpu.dma_semaphore, #tpu.memory_space<semaphore_mem>>) {add = true}
      %add3A_124 = arith.constant 2 : i32
      %add3A_125 = arith.addi %mul3A_81, %add3A_124 : i32
      %mul3A_126 = arith.constant 80 : i32
      %mul3A_127 = arith.muli %add3A_125, %mul3A_126 : i32
      %add3A_128 = arith.addi %mul3A_39, %mul3A_127 : i32
      %dma_wait3A_129 = tpu.memref_slice %arg3[%add3A_128] : memref<320000xi32, #tpu.memory_space<hbm>> -> memref<80xi32, #tpu.memory_space<hbm>>
      %dma_wait3A_130 = tpu.memref_slice %arg3[%add3A_128] : memref<320000xi32, #tpu.memory_space<hbm>> -> memref<80xi32, #tpu.memory_space<hbm>>
      tpu.wait_dma2 semaphore(%arg17 : memref<!tpu.dma_semaphore, #tpu.memory_space<semaphore_mem>>) src(%dma_wait3A_130 : memref<80xi32, #tpu.memory_space<hbm>>) dst(%arg6 : memref<80xi32, #tpu.memory_space<vmem>>)
      %mul3A_131 = arith.constant 80 : i32
      %mul3A_132 = arith.muli %add3A_125, %mul3A_131 : i32
      %add3A_133 = arith.addi %mul3A_39, %mul3A_132 : i32
      %dma_wait3A_134 = tpu.memref_slice %arg4[%add3A_133] : memref<320000xi32, #tpu.memory_space<hbm>> -> memref<80xi32, #tpu.memory_space<hbm>>
      %dma_wait3A_135 = tpu.memref_slice %arg4[%add3A_133] : memref<320000xi32, #tpu.memory_space<hbm>> -> memref<80xi32, #tpu.memory_space<hbm>>
      tpu.wait_dma2 semaphore(%arg17 : memref<!tpu.dma_semaphore, #tpu.memory_space<semaphore_mem>>) src(%dma_wait3A_135 : memref<80xi32, #tpu.memory_space<hbm>>) dst(%arg7 : memref<80xi32, #tpu.memory_space<vmem>>)
      %dma_start3A_136 = arith.constant 0 : i32
      %dma_start3A_137 = arith.constant 0 : i32
      %dma_start3A_138 = tpu.memref_slice %arg2[%dma_start3A_136, %dma_start3A_137] : memref<10240x128xf32, #tpu.memory_space<hbm>> -> memref<10240x128xf32, #tpu.memory_space<hbm>>
      tpu.enqueue_indirect_dma source(%dma_start3A_138 : memref<10240x128xf32, #tpu.memory_space<hbm>>) target(%arg10 : memref<80x128xf32, #tpu.memory_space<vmem>>) offsets(%arg6 : memref<80xi32, #tpu.memory_space<vmem>>) semaphore(%arg13 : memref<!tpu.dma_semaphore, #tpu.memory_space<semaphore_mem>>)
      %dma_wait3A_139 = arith.constant 0 : i32
      %dma_wait3A_140 = arith.constant 0 : i32
      %dma_wait3A_141 = tpu.memref_slice %arg12[%dma_wait3A_139, %dma_wait3A_140] : memref<10240x128xf32, #tpu.memory_space<vmem_shared>> -> memref<10240x128xf32, #tpu.memory_space<vmem_shared>>
      tpu.wait_indirect_dma semaphore(%arg16 : memref<!tpu.dma_semaphore, #tpu.memory_space<semaphore_mem>>) src(%arg11 : memref<80x128xf32, #tpu.memory_space<vmem>>) dst(%dma_wait3A_141 : memref<10240x128xf32, #tpu.memory_space<vmem_shared>>)
      %add3A_142 = arith.constant 1 : i32
      %add3A_143 = arith.addi %scan3A_79, %add3A_142 : i32
      %lt3A = arith.constant 62 : i32
      %lt3A_144 = arith.cmpi slt, %add3A_143, %lt3A : i32
      %convert_element_type3A = arith.extui %lt3A_144 : i1 to i32
      %cond3A = arith.constant 0 : i32
      %cond3A_145 = arith.cmpi ne, %convert_element_type3A, %cond3A : i32
      scf.if %cond3A_145 {
        %add3A_146 = arith.constant 3 : i32
        %add3A_147 = arith.addi %mul3A_81, %add3A_146 : i32
        %mul3A_148 = arith.constant 80 : i32
        %mul3A_149 = arith.muli %add3A_147, %mul3A_148 : i32
        %add3A_150 = arith.addi %mul3A_39, %mul3A_149 : i32
        %dma_start3A_151 = tpu.memref_slice %arg3[%add3A_150] : memref<320000xi32, #tpu.memory_space<hbm>> -> memref<80xi32, #tpu.memory_space<hbm>>
        %dma_start3A_152 = tpu.memref_slice %arg3[%add3A_150] : memref<320000xi32, #tpu.memory_space<hbm>> -> memref<80xi32, #tpu.memory_space<hbm>>
        tpu.enqueue_dma source(%dma_start3A_152 : memref<80xi32, #tpu.memory_space<hbm>>) target(%arg8 : memref<80xi32, #tpu.memory_space<vmem>>) target_semaphore(%arg18 : memref<!tpu.dma_semaphore, #tpu.memory_space<semaphore_mem>>)
        %mul3A_153 = arith.constant 80 : i32
        %mul3A_154 = arith.muli %add3A_147, %mul3A_153 : i32
        %add3A_155 = arith.addi %mul3A_39, %mul3A_154 : i32
        %dma_start3A_156 = tpu.memref_slice %arg4[%add3A_155] : memref<320000xi32, #tpu.memory_space<hbm>> -> memref<80xi32, #tpu.memory_space<hbm>>
        %dma_start3A_157 = tpu.memref_slice %arg4[%add3A_155] : memref<320000xi32, #tpu.memory_space<hbm>> -> memref<80xi32, #tpu.memory_space<hbm>>
        tpu.enqueue_dma source(%dma_start3A_157 : memref<80xi32, #tpu.memory_space<hbm>>) target(%arg9 : memref<80xi32, #tpu.memory_space<vmem>>) target_semaphore(%arg18 : memref<!tpu.dma_semaphore, #tpu.memory_space<semaphore_mem>>)
      } else {
      }
    }
    %scan3A_70 = arith.constant 62 : i32
    %dma_wait3A_71 = arith.constant 0 : i32
    %dma_wait3A_72 = arith.constant 0 : i32
    %dma_wait3A_73 = tpu.memref_slice %arg2[%dma_wait3A_71, %dma_wait3A_72] : memref<10240x128xf32, #tpu.memory_space<hbm>> -> memref<10240x128xf32, #tpu.memory_space<hbm>>
    tpu.wait_indirect_dma semaphore(%arg13 : memref<!tpu.dma_semaphore, #tpu.memory_space<semaphore_mem>>) src(%dma_wait3A_73 : memref<10240x128xf32, #tpu.memory_space<hbm>>) dst(%arg10 : memref<80x128xf32, #tpu.memory_space<vmem>>)
    "tpu.region"() ({
      %run_scoped3A = tpu.sem_alloc : memref<!tpu.dma_semaphore, #tpu.memory_space<semaphore_mem>>
      %dma_start3A_79 = arith.constant 0 : i32
      %dma_start3A_80 = arith.constant 0 : i32
      %dma_start3A_81 = tpu.memref_slice %arg12[%dma_start3A_79, %dma_start3A_80] : memref<10240x128xf32, #tpu.memory_space<vmem_shared>> -> memref<10240x128xf32, #tpu.memory_space<vmem_shared>>
      tpu.enqueue_indirect_dma source(%arg10 : memref<80x128xf32, #tpu.memory_space<vmem>>) target(%dma_start3A_81 : memref<10240x128xf32, #tpu.memory_space<vmem_shared>>) offsets(%arg7 : memref<80xi32, #tpu.memory_space<vmem>>) semaphore(%run_scoped3A : memref<!tpu.dma_semaphore, #tpu.memory_space<semaphore_mem>>) {add = true}
      %dma_wait3A_82 = arith.constant 0 : i32
      %dma_wait3A_83 = arith.constant 0 : i32
      %dma_wait3A_84 = tpu.memref_slice %arg12[%dma_wait3A_82, %dma_wait3A_83] : memref<10240x128xf32, #tpu.memory_space<vmem_shared>> -> memref<10240x128xf32, #tpu.memory_space<vmem_shared>>
      tpu.wait_indirect_dma semaphore(%run_scoped3A : memref<!tpu.dma_semaphore, #tpu.memory_space<semaphore_mem>>) src(%arg10 : memref<80x128xf32, #tpu.memory_space<vmem>>) dst(%dma_wait3A_84 : memref<10240x128xf32, #tpu.memory_space<vmem_shared>>)
      tpu.yield
    }) : () -> ()
    %barrier3A_74 = arith.constant 0 : index
    tpu.barrier barrier_id(%barrier3A_74)
    %mul3A_75 = arith.constant 640 : i32
    %mul3A_76 = arith.muli %arg1, %mul3A_75 : i32
    %mul3A_77 = arith.constant 640 : i32
    %mul3A_78 = arith.muli %arg1, %mul3A_77 : i32
    "tpu.region"() ({
      %run_scoped3A = tpu.sem_alloc : memref<!tpu.dma_semaphore, #tpu.memory_space<semaphore_mem>>
      %dma_start3A_79 = arith.constant 0 : i32
      %dma_start3A_80 = tpu.memref_slice %arg5[%arg0, %mul3A_78, %dma_start3A_79] : memref<2x10240x128xf32, #tpu.memory_space<hbm>> -> memref<1x640x128xf32, #tpu.memory_space<hbm>>
      %dma_start3A_81 = tpu.memref_squeeze %dma_start3A_80 : memref<1x640x128xf32, #tpu.memory_space<hbm>> -> memref<640x128xf32, #tpu.memory_space<hbm>>
      %dma_start3A_82 = arith.constant 0 : i32
      %dma_start3A_83 = tpu.memref_slice %arg12[%mul3A_76, %dma_start3A_82] : memref<10240x128xf32, #tpu.memory_space<vmem_shared>> -> memref<640x128xf32, #tpu.memory_space<vmem_shared>>
      tpu.enqueue_dma source(%dma_start3A_83 : memref<640x128xf32, #tpu.memory_space<vmem_shared>>) target(%dma_start3A_81 : memref<640x128xf32, #tpu.memory_space<hbm>>) target_semaphore(%run_scoped3A : memref<!tpu.dma_semaphore, #tpu.memory_space<semaphore_mem>>)
      %dma_wait3A_84 = arith.constant 0 : i32
      %dma_wait3A_85 = tpu.memref_slice %arg5[%arg0, %mul3A_78, %dma_wait3A_84] : memref<2x10240x128xf32, #tpu.memory_space<hbm>> -> memref<1x640x128xf32, #tpu.memory_space<hbm>>
      %dma_wait3A_86 = tpu.memref_squeeze %dma_wait3A_85 : memref<1x640x128xf32, #tpu.memory_space<hbm>> -> memref<640x128xf32, #tpu.memory_space<hbm>>
      %dma_wait3A_87 = arith.constant 0 : i32
      %dma_wait3A_88 = tpu.memref_slice %arg12[%mul3A_76, %dma_wait3A_87] : memref<10240x128xf32, #tpu.memory_space<vmem_shared>> -> memref<640x128xf32, #tpu.memory_space<vmem_shared>>
      tpu.wait_dma2 semaphore(%run_scoped3A : memref<!tpu.dma_semaphore, #tpu.memory_space<semaphore_mem>>) src(%dma_wait3A_88 : memref<640x128xf32, #tpu.memory_space<vmem_shared>>) dst(%dma_wait3A_86 : memref<640x128xf32, #tpu.memory_space<hbm>>)
      tpu.yield
    }) : () -> ()
    return
  }
}

#map = affine_map<(d0, d1) -> (0, 0)>
#map1 = affine_map<(d0, d1) -> (0)>
#map2 = affine_map<(d0, d1) -> (0, 0, 0)>
module attributes {stable_mosaic.version = 14 : i64} {
  func.func @k(%arg0: i32, %arg1: i32, %arg2: memref<10000x128xf32, #tpu.memory_space<hbm>>, %arg3: memref<320000xi32, #tpu.memory_space<hbm>>, %arg4: memref<320000xi32, #tpu.memory_space<hbm>>, %arg5: memref<2x10240x128xf32, #tpu.memory_space<hbm>>, %arg6: memref<327680xf32, #tpu.memory_space<hbm>>, %arg7: memref<80xi32, #tpu.memory_space<vmem>>, %arg8: memref<80xi32, #tpu.memory_space<vmem>>, %arg9: memref<80xi32, #tpu.memory_space<vmem>>, %arg10: memref<80xi32, #tpu.memory_space<vmem>>, %arg11: memref<80x128xf32, #tpu.memory_space<vmem>>, %arg12: memref<80x128xf32, #tpu.memory_space<vmem>>, %arg13: memref<10240x128xf32, #tpu.memory_space<vmem_shared>>, %arg14: memref<!tpu.dma_semaphore, #tpu.memory_space<semaphore_mem>>, %arg15: memref<!tpu.dma_semaphore, #tpu.memory_space<semaphore_mem>>, %arg16: memref<!tpu.dma_semaphore, #tpu.memory_space<semaphore_mem>>, %arg17: memref<!tpu.dma_semaphore, #tpu.memory_space<semaphore_mem>>, %arg18: memref<!tpu.dma_semaphore, #tpu.memory_space<semaphore_mem>>, %arg19: memref<!tpu.dma_semaphore, #tpu.memory_space<semaphore_mem>>, %arg20: memref<10240xf32, #tpu.memory_space<vmem>>) attributes {dimension_semantics = [#tpu.dimension_semantics<core_parallel>, #tpu.dimension_semantics<subcore_parallel>], iteration_bounds = array<i64: 2, 16>, scalar_prefetch = 0 : i64, scratch_operands = 14 : i64, tpu.core_type = #tpu.core_type<sc_vector_subcore>, window_params = [{transform_indices = #map}, {transform_indices = #map1}, {transform_indices = #map1}, {transform_indices = #map2}, {transform_indices = #map1}]} {
    %mul3A = arith.constant 2 : i32
    %mul3A_0 = arith.muli %arg1, %mul3A : i32
    %add3A = arith.addi %mul3A_0, %arg0 : i32
    %scan3A = arith.constant 0 : i32
    %scan3A_1 = arith.constant 0 : i32
    %scan3A_2 = arith.constant 80 : i32
    %scan3A_3 = arith.addi %scan3A_1, %scan3A_2 : i32
    %scan3A_4 = arith.constant 1 : i32
    scf.for %scan3A_97 = %scan3A_1 to %scan3A_3 step %scan3A_4  : i32 {
      %broadcast_in_dim3A_98 = arith.constant 0.000000e+00 : f32
      %broadcast_in_dim3A_99 = vector.broadcast %broadcast_in_dim3A_98 : f32 to vector<16xf32>
      %swap3A = arith.index_cast %scan3A_97 : i32 to index
      %swap3A_100 = arith.constant 0 : index
      %swap3A_101 = tpu.vector_load %arg11[%swap3A, %swap3A_100] {strides = array<i32>} : memref<80x128xf32, #tpu.memory_space<vmem>>, vector<16xf32>,
      tpu.vector_store %arg11[%swap3A, %swap3A_100], %broadcast_in_dim3A_99 {strides = array<i32>} : memref<80x128xf32, #tpu.memory_space<vmem>>, vector<16xf32>,
      %broadcast_in_dim3A_102 = arith.constant 0.000000e+00 : f32
      %broadcast_in_dim3A_103 = vector.broadcast %broadcast_in_dim3A_102 : f32 to vector<16xf32>
      %swap3A_104 = arith.index_cast %scan3A_97 : i32 to index
      %swap3A_105 = arith.constant 16 : index
      %swap3A_106 = tpu.vector_load %arg11[%swap3A_104, %swap3A_105] {strides = array<i32>} : memref<80x128xf32, #tpu.memory_space<vmem>>, vector<16xf32>,
      tpu.vector_store %arg11[%swap3A_104, %swap3A_105], %broadcast_in_dim3A_103 {strides = array<i32>} : memref<80x128xf32, #tpu.memory_space<vmem>>, vector<16xf32>,
      %broadcast_in_dim3A_107 = arith.constant 0.000000e+00 : f32
      %broadcast_in_dim3A_108 = vector.broadcast %broadcast_in_dim3A_107 : f32 to vector<16xf32>
      %swap3A_109 = arith.index_cast %scan3A_97 : i32 to index
      %swap3A_110 = arith.constant 32 : index
      %swap3A_111 = tpu.vector_load %arg11[%swap3A_109, %swap3A_110] {strides = array<i32>} : memref<80x128xf32, #tpu.memory_space<vmem>>, vector<16xf32>,
      tpu.vector_store %arg11[%swap3A_109, %swap3A_110], %broadcast_in_dim3A_108 {strides = array<i32>} : memref<80x128xf32, #tpu.memory_space<vmem>>, vector<16xf32>,
      %broadcast_in_dim3A_112 = arith.constant 0.000000e+00 : f32
      %broadcast_in_dim3A_113 = vector.broadcast %broadcast_in_dim3A_112 : f32 to vector<16xf32>
      %swap3A_114 = arith.index_cast %scan3A_97 : i32 to index
      %swap3A_115 = arith.constant 48 : index
      %swap3A_116 = tpu.vector_load %arg11[%swap3A_114, %swap3A_115] {strides = array<i32>} : memref<80x128xf32, #tpu.memory_space<vmem>>, vector<16xf32>,
      tpu.vector_store %arg11[%swap3A_114, %swap3A_115], %broadcast_in_dim3A_113 {strides = array<i32>} : memref<80x128xf32, #tpu.memory_space<vmem>>, vector<16xf32>,
      %broadcast_in_dim3A_117 = arith.constant 0.000000e+00 : f32
      %broadcast_in_dim3A_118 = vector.broadcast %broadcast_in_dim3A_117 : f32 to vector<16xf32>
      %swap3A_119 = arith.index_cast %scan3A_97 : i32 to index
      %swap3A_120 = arith.constant 64 : index
      %swap3A_121 = tpu.vector_load %arg11[%swap3A_119, %swap3A_120] {strides = array<i32>} : memref<80x128xf32, #tpu.memory_space<vmem>>, vector<16xf32>,
      tpu.vector_store %arg11[%swap3A_119, %swap3A_120], %broadcast_in_dim3A_118 {strides = array<i32>} : memref<80x128xf32, #tpu.memory_space<vmem>>, vector<16xf32>,
      %broadcast_in_dim3A_122 = arith.constant 0.000000e+00 : f32
      %broadcast_in_dim3A_123 = vector.broadcast %broadcast_in_dim3A_122 : f32 to vector<16xf32>
      %swap3A_124 = arith.index_cast %scan3A_97 : i32 to index
      %swap3A_125 = arith.constant 80 : index
      %swap3A_126 = tpu.vector_load %arg11[%swap3A_124, %swap3A_125] {strides = array<i32>} : memref<80x128xf32, #tpu.memory_space<vmem>>, vector<16xf32>,
      tpu.vector_store %arg11[%swap3A_124, %swap3A_125], %broadcast_in_dim3A_123 {strides = array<i32>} : memref<80x128xf32, #tpu.memory_space<vmem>>, vector<16xf32>,
      %broadcast_in_dim3A_127 = arith.constant 0.000000e+00 : f32
      %broadcast_in_dim3A_128 = vector.broadcast %broadcast_in_dim3A_127 : f32 to vector<16xf32>
      %swap3A_129 = arith.index_cast %scan3A_97 : i32 to index
      %swap3A_130 = arith.constant 96 : index
      %swap3A_131 = tpu.vector_load %arg11[%swap3A_129, %swap3A_130] {strides = array<i32>} : memref<80x128xf32, #tpu.memory_space<vmem>>, vector<16xf32>,
      tpu.vector_store %arg11[%swap3A_129, %swap3A_130], %broadcast_in_dim3A_128 {strides = array<i32>} : memref<80x128xf32, #tpu.memory_space<vmem>>, vector<16xf32>,
      %broadcast_in_dim3A_132 = arith.constant 0.000000e+00 : f32
      %broadcast_in_dim3A_133 = vector.broadcast %broadcast_in_dim3A_132 : f32 to vector<16xf32>
      %swap3A_134 = arith.index_cast %scan3A_97 : i32 to index
      %swap3A_135 = arith.constant 112 : index
      %swap3A_136 = tpu.vector_load %arg11[%swap3A_134, %swap3A_135] {strides = array<i32>} : memref<80x128xf32, #tpu.memory_space<vmem>>, vector<16xf32>,
      tpu.vector_store %arg11[%swap3A_134, %swap3A_135], %broadcast_in_dim3A_133 {strides = array<i32>} : memref<80x128xf32, #tpu.memory_space<vmem>>, vector<16xf32>,
    }
    %scan3A_5 = arith.constant 80 : i32
    %mul3A_6 = arith.constant 640 : i32
    %mul3A_7 = arith.muli %arg1, %mul3A_6 : i32
    %add3A_8 = arith.constant 0 : i32
    %add3A_9 = arith.addi %mul3A_7, %add3A_8 : i32
    "tpu.region"() ({
      %run_scoped3A = tpu.sem_alloc : memref<!tpu.dma_semaphore, #tpu.memory_space<semaphore_mem>>
      %dma_start3A_97 = arith.constant 0 : i32
      %dma_start3A_98 = tpu.memref_slice %arg13[%add3A_9, %dma_start3A_97] : memref<10240x128xf32, #tpu.memory_space<vmem_shared>> -> memref<80x128xf32, #tpu.memory_space<vmem_shared>>
      %dma_start3A_99 = arith.constant 0 : i32
      %dma_start3A_100 = tpu.memref_slice %arg13[%add3A_9, %dma_start3A_99] : memref<10240x128xf32, #tpu.memory_space<vmem_shared>> -> memref<80x128xf32, #tpu.memory_space<vmem_shared>>
      tpu.enqueue_dma source(%arg11 : memref<80x128xf32, #tpu.memory_space<vmem>>) target(%dma_start3A_100 : memref<80x128xf32, #tpu.memory_space<vmem_shared>>) target_semaphore(%run_scoped3A : memref<!tpu.dma_semaphore, #tpu.memory_space<semaphore_mem>>)
      %dma_wait3A_101 = arith.constant 0 : i32
      %dma_wait3A_102 = tpu.memref_slice %arg13[%add3A_9, %dma_wait3A_101] : memref<10240x128xf32, #tpu.memory_space<vmem_shared>> -> memref<80x128xf32, #tpu.memory_space<vmem_shared>>
      %dma_wait3A_103 = arith.constant 0 : i32
      %dma_wait3A_104 = tpu.memref_slice %arg13[%add3A_9, %dma_wait3A_103] : memref<10240x128xf32, #tpu.memory_space<vmem_shared>> -> memref<80x128xf32, #tpu.memory_space<vmem_shared>>
      tpu.wait_dma2 semaphore(%run_scoped3A : memref<!tpu.dma_semaphore, #tpu.memory_space<semaphore_mem>>) src(%arg11 : memref<80x128xf32, #tpu.memory_space<vmem>>) dst(%dma_wait3A_104 : memref<80x128xf32, #tpu.memory_space<vmem_shared>>)
      tpu.yield
    }) : () -> ()
    %mul3A_10 = arith.constant 640 : i32
    %mul3A_11 = arith.muli %arg1, %mul3A_10 : i32
    %add3A_12 = arith.constant 80 : i32
    %add3A_13 = arith.addi %mul3A_11, %add3A_12 : i32
    "tpu.region"() ({
      %run_scoped3A = tpu.sem_alloc : memref<!tpu.dma_semaphore, #tpu.memory_space<semaphore_mem>>
      %dma_start3A_97 = arith.constant 0 : i32
      %dma_start3A_98 = tpu.memref_slice %arg13[%add3A_13, %dma_start3A_97] : memref<10240x128xf32, #tpu.memory_space<vmem_shared>> -> memref<80x128xf32, #tpu.memory_space<vmem_shared>>
      %dma_start3A_99 = arith.constant 0 : i32
      %dma_start3A_100 = tpu.memref_slice %arg13[%add3A_13, %dma_start3A_99] : memref<10240x128xf32, #tpu.memory_space<vmem_shared>> -> memref<80x128xf32, #tpu.memory_space<vmem_shared>>
      tpu.enqueue_dma source(%arg11 : memref<80x128xf32, #tpu.memory_space<vmem>>) target(%dma_start3A_100 : memref<80x128xf32, #tpu.memory_space<vmem_shared>>) target_semaphore(%run_scoped3A : memref<!tpu.dma_semaphore, #tpu.memory_space<semaphore_mem>>)
      %dma_wait3A_101 = arith.constant 0 : i32
      %dma_wait3A_102 = tpu.memref_slice %arg13[%add3A_13, %dma_wait3A_101] : memref<10240x128xf32, #tpu.memory_space<vmem_shared>> -> memref<80x128xf32, #tpu.memory_space<vmem_shared>>
      %dma_wait3A_103 = arith.constant 0 : i32
      %dma_wait3A_104 = tpu.memref_slice %arg13[%add3A_13, %dma_wait3A_103] : memref<10240x128xf32, #tpu.memory_space<vmem_shared>> -> memref<80x128xf32, #tpu.memory_space<vmem_shared>>
      tpu.wait_dma2 semaphore(%run_scoped3A : memref<!tpu.dma_semaphore, #tpu.memory_space<semaphore_mem>>) src(%arg11 : memref<80x128xf32, #tpu.memory_space<vmem>>) dst(%dma_wait3A_104 : memref<80x128xf32, #tpu.memory_space<vmem_shared>>)
      tpu.yield
    }) : () -> ()
    %mul3A_14 = arith.constant 640 : i32
    %mul3A_15 = arith.muli %arg1, %mul3A_14 : i32
    %add3A_16 = arith.constant 160 : i32
    %add3A_17 = arith.addi %mul3A_15, %add3A_16 : i32
    "tpu.region"() ({
      %run_scoped3A = tpu.sem_alloc : memref<!tpu.dma_semaphore, #tpu.memory_space<semaphore_mem>>
      %dma_start3A_97 = arith.constant 0 : i32
      %dma_start3A_98 = tpu.memref_slice %arg13[%add3A_17, %dma_start3A_97] : memref<10240x128xf32, #tpu.memory_space<vmem_shared>> -> memref<80x128xf32, #tpu.memory_space<vmem_shared>>
      %dma_start3A_99 = arith.constant 0 : i32
      %dma_start3A_100 = tpu.memref_slice %arg13[%add3A_17, %dma_start3A_99] : memref<10240x128xf32, #tpu.memory_space<vmem_shared>> -> memref<80x128xf32, #tpu.memory_space<vmem_shared>>
      tpu.enqueue_dma source(%arg11 : memref<80x128xf32, #tpu.memory_space<vmem>>) target(%dma_start3A_100 : memref<80x128xf32, #tpu.memory_space<vmem_shared>>) target_semaphore(%run_scoped3A : memref<!tpu.dma_semaphore, #tpu.memory_space<semaphore_mem>>)
      %dma_wait3A_101 = arith.constant 0 : i32
      %dma_wait3A_102 = tpu.memref_slice %arg13[%add3A_17, %dma_wait3A_101] : memref<10240x128xf32, #tpu.memory_space<vmem_shared>> -> memref<80x128xf32, #tpu.memory_space<vmem_shared>>
      %dma_wait3A_103 = arith.constant 0 : i32
      %dma_wait3A_104 = tpu.memref_slice %arg13[%add3A_17, %dma_wait3A_103] : memref<10240x128xf32, #tpu.memory_space<vmem_shared>> -> memref<80x128xf32, #tpu.memory_space<vmem_shared>>
      tpu.wait_dma2 semaphore(%run_scoped3A : memref<!tpu.dma_semaphore, #tpu.memory_space<semaphore_mem>>) src(%arg11 : memref<80x128xf32, #tpu.memory_space<vmem>>) dst(%dma_wait3A_104 : memref<80x128xf32, #tpu.memory_space<vmem_shared>>)
      tpu.yield
    }) : () -> ()
    %mul3A_18 = arith.constant 640 : i32
    %mul3A_19 = arith.muli %arg1, %mul3A_18 : i32
    %add3A_20 = arith.constant 240 : i32
    %add3A_21 = arith.addi %mul3A_19, %add3A_20 : i32
    "tpu.region"() ({
      %run_scoped3A = tpu.sem_alloc : memref<!tpu.dma_semaphore, #tpu.memory_space<semaphore_mem>>
      %dma_start3A_97 = arith.constant 0 : i32
      %dma_start3A_98 = tpu.memref_slice %arg13[%add3A_21, %dma_start3A_97] : memref<10240x128xf32, #tpu.memory_space<vmem_shared>> -> memref<80x128xf32, #tpu.memory_space<vmem_shared>>
      %dma_start3A_99 = arith.constant 0 : i32
      %dma_start3A_100 = tpu.memref_slice %arg13[%add3A_21, %dma_start3A_99] : memref<10240x128xf32, #tpu.memory_space<vmem_shared>> -> memref<80x128xf32, #tpu.memory_space<vmem_shared>>
      tpu.enqueue_dma source(%arg11 : memref<80x128xf32, #tpu.memory_space<vmem>>) target(%dma_start3A_100 : memref<80x128xf32, #tpu.memory_space<vmem_shared>>) target_semaphore(%run_scoped3A : memref<!tpu.dma_semaphore, #tpu.memory_space<semaphore_mem>>)
      %dma_wait3A_101 = arith.constant 0 : i32
      %dma_wait3A_102 = tpu.memref_slice %arg13[%add3A_21, %dma_wait3A_101] : memref<10240x128xf32, #tpu.memory_space<vmem_shared>> -> memref<80x128xf32, #tpu.memory_space<vmem_shared>>
      %dma_wait3A_103 = arith.constant 0 : i32
      %dma_wait3A_104 = tpu.memref_slice %arg13[%add3A_21, %dma_wait3A_103] : memref<10240x128xf32, #tpu.memory_space<vmem_shared>> -> memref<80x128xf32, #tpu.memory_space<vmem_shared>>
      tpu.wait_dma2 semaphore(%run_scoped3A : memref<!tpu.dma_semaphore, #tpu.memory_space<semaphore_mem>>) src(%arg11 : memref<80x128xf32, #tpu.memory_space<vmem>>) dst(%dma_wait3A_104 : memref<80x128xf32, #tpu.memory_space<vmem_shared>>)
      tpu.yield
    }) : () -> ()
    %mul3A_22 = arith.constant 640 : i32
    %mul3A_23 = arith.muli %arg1, %mul3A_22 : i32
    %add3A_24 = arith.constant 320 : i32
    %add3A_25 = arith.addi %mul3A_23, %add3A_24 : i32
    "tpu.region"() ({
      %run_scoped3A = tpu.sem_alloc : memref<!tpu.dma_semaphore, #tpu.memory_space<semaphore_mem>>
      %dma_start3A_97 = arith.constant 0 : i32
      %dma_start3A_98 = tpu.memref_slice %arg13[%add3A_25, %dma_start3A_97] : memref<10240x128xf32, #tpu.memory_space<vmem_shared>> -> memref<80x128xf32, #tpu.memory_space<vmem_shared>>
      %dma_start3A_99 = arith.constant 0 : i32
      %dma_start3A_100 = tpu.memref_slice %arg13[%add3A_25, %dma_start3A_99] : memref<10240x128xf32, #tpu.memory_space<vmem_shared>> -> memref<80x128xf32, #tpu.memory_space<vmem_shared>>
      tpu.enqueue_dma source(%arg11 : memref<80x128xf32, #tpu.memory_space<vmem>>) target(%dma_start3A_100 : memref<80x128xf32, #tpu.memory_space<vmem_shared>>) target_semaphore(%run_scoped3A : memref<!tpu.dma_semaphore, #tpu.memory_space<semaphore_mem>>)
      %dma_wait3A_101 = arith.constant 0 : i32
      %dma_wait3A_102 = tpu.memref_slice %arg13[%add3A_25, %dma_wait3A_101] : memref<10240x128xf32, #tpu.memory_space<vmem_shared>> -> memref<80x128xf32, #tpu.memory_space<vmem_shared>>
      %dma_wait3A_103 = arith.constant 0 : i32
      %dma_wait3A_104 = tpu.memref_slice %arg13[%add3A_25, %dma_wait3A_103] : memref<10240x128xf32, #tpu.memory_space<vmem_shared>> -> memref<80x128xf32, #tpu.memory_space<vmem_shared>>
      tpu.wait_dma2 semaphore(%run_scoped3A : memref<!tpu.dma_semaphore, #tpu.memory_space<semaphore_mem>>) src(%arg11 : memref<80x128xf32, #tpu.memory_space<vmem>>) dst(%dma_wait3A_104 : memref<80x128xf32, #tpu.memory_space<vmem_shared>>)
      tpu.yield
    }) : () -> ()
    %mul3A_26 = arith.constant 640 : i32
    %mul3A_27 = arith.muli %arg1, %mul3A_26 : i32
    %add3A_28 = arith.constant 400 : i32
    %add3A_29 = arith.addi %mul3A_27, %add3A_28 : i32
    "tpu.region"() ({
      %run_scoped3A = tpu.sem_alloc : memref<!tpu.dma_semaphore, #tpu.memory_space<semaphore_mem>>
      %dma_start3A_97 = arith.constant 0 : i32
      %dma_start3A_98 = tpu.memref_slice %arg13[%add3A_29, %dma_start3A_97] : memref<10240x128xf32, #tpu.memory_space<vmem_shared>> -> memref<80x128xf32, #tpu.memory_space<vmem_shared>>
      %dma_start3A_99 = arith.constant 0 : i32
      %dma_start3A_100 = tpu.memref_slice %arg13[%add3A_29, %dma_start3A_99] : memref<10240x128xf32, #tpu.memory_space<vmem_shared>> -> memref<80x128xf32, #tpu.memory_space<vmem_shared>>
      tpu.enqueue_dma source(%arg11 : memref<80x128xf32, #tpu.memory_space<vmem>>) target(%dma_start3A_100 : memref<80x128xf32, #tpu.memory_space<vmem_shared>>) target_semaphore(%run_scoped3A : memref<!tpu.dma_semaphore, #tpu.memory_space<semaphore_mem>>)
      %dma_wait3A_101 = arith.constant 0 : i32
      %dma_wait3A_102 = tpu.memref_slice %arg13[%add3A_29, %dma_wait3A_101] : memref<10240x128xf32, #tpu.memory_space<vmem_shared>> -> memref<80x128xf32, #tpu.memory_space<vmem_shared>>
      %dma_wait3A_103 = arith.constant 0 : i32
      %dma_wait3A_104 = tpu.memref_slice %arg13[%add3A_29, %dma_wait3A_103] : memref<10240x128xf32, #tpu.memory_space<vmem_shared>> -> memref<80x128xf32, #tpu.memory_space<vmem_shared>>
      tpu.wait_dma2 semaphore(%run_scoped3A : memref<!tpu.dma_semaphore, #tpu.memory_space<semaphore_mem>>) src(%arg11 : memref<80x128xf32, #tpu.memory_space<vmem>>) dst(%dma_wait3A_104 : memref<80x128xf32, #tpu.memory_space<vmem_shared>>)
      tpu.yield
    }) : () -> ()
    %mul3A_30 = arith.constant 640 : i32
    %mul3A_31 = arith.muli %arg1, %mul3A_30 : i32
    %add3A_32 = arith.constant 480 : i32
    %add3A_33 = arith.addi %mul3A_31, %add3A_32 : i32
    "tpu.region"() ({
      %run_scoped3A = tpu.sem_alloc : memref<!tpu.dma_semaphore, #tpu.memory_space<semaphore_mem>>
      %dma_start3A_97 = arith.constant 0 : i32
      %dma_start3A_98 = tpu.memref_slice %arg13[%add3A_33, %dma_start3A_97] : memref<10240x128xf32, #tpu.memory_space<vmem_shared>> -> memref<80x128xf32, #tpu.memory_space<vmem_shared>>
      %dma_start3A_99 = arith.constant 0 : i32
      %dma_start3A_100 = tpu.memref_slice %arg13[%add3A_33, %dma_start3A_99] : memref<10240x128xf32, #tpu.memory_space<vmem_shared>> -> memref<80x128xf32, #tpu.memory_space<vmem_shared>>
      tpu.enqueue_dma source(%arg11 : memref<80x128xf32, #tpu.memory_space<vmem>>) target(%dma_start3A_100 : memref<80x128xf32, #tpu.memory_space<vmem_shared>>) target_semaphore(%run_scoped3A : memref<!tpu.dma_semaphore, #tpu.memory_space<semaphore_mem>>)
      %dma_wait3A_101 = arith.constant 0 : i32
      %dma_wait3A_102 = tpu.memref_slice %arg13[%add3A_33, %dma_wait3A_101] : memref<10240x128xf32, #tpu.memory_space<vmem_shared>> -> memref<80x128xf32, #tpu.memory_space<vmem_shared>>
      %dma_wait3A_103 = arith.constant 0 : i32
      %dma_wait3A_104 = tpu.memref_slice %arg13[%add3A_33, %dma_wait3A_103] : memref<10240x128xf32, #tpu.memory_space<vmem_shared>> -> memref<80x128xf32, #tpu.memory_space<vmem_shared>>
      tpu.wait_dma2 semaphore(%run_scoped3A : memref<!tpu.dma_semaphore, #tpu.memory_space<semaphore_mem>>) src(%arg11 : memref<80x128xf32, #tpu.memory_space<vmem>>) dst(%dma_wait3A_104 : memref<80x128xf32, #tpu.memory_space<vmem_shared>>)
      tpu.yield
    }) : () -> ()
    %mul3A_34 = arith.constant 640 : i32
    %mul3A_35 = arith.muli %arg1, %mul3A_34 : i32
    %add3A_36 = arith.constant 560 : i32
    %add3A_37 = arith.addi %mul3A_35, %add3A_36 : i32
    "tpu.region"() ({
      %run_scoped3A = tpu.sem_alloc : memref<!tpu.dma_semaphore, #tpu.memory_space<semaphore_mem>>
      %dma_start3A_97 = arith.constant 0 : i32
      %dma_start3A_98 = tpu.memref_slice %arg13[%add3A_37, %dma_start3A_97] : memref<10240x128xf32, #tpu.memory_space<vmem_shared>> -> memref<80x128xf32, #tpu.memory_space<vmem_shared>>
      %dma_start3A_99 = arith.constant 0 : i32
      %dma_start3A_100 = tpu.memref_slice %arg13[%add3A_37, %dma_start3A_99] : memref<10240x128xf32, #tpu.memory_space<vmem_shared>> -> memref<80x128xf32, #tpu.memory_space<vmem_shared>>
      tpu.enqueue_dma source(%arg11 : memref<80x128xf32, #tpu.memory_space<vmem>>) target(%dma_start3A_100 : memref<80x128xf32, #tpu.memory_space<vmem_shared>>) target_semaphore(%run_scoped3A : memref<!tpu.dma_semaphore, #tpu.memory_space<semaphore_mem>>)
      %dma_wait3A_101 = arith.constant 0 : i32
      %dma_wait3A_102 = tpu.memref_slice %arg13[%add3A_37, %dma_wait3A_101] : memref<10240x128xf32, #tpu.memory_space<vmem_shared>> -> memref<80x128xf32, #tpu.memory_space<vmem_shared>>
      %dma_wait3A_103 = arith.constant 0 : i32
      %dma_wait3A_104 = tpu.memref_slice %arg13[%add3A_37, %dma_wait3A_103] : memref<10240x128xf32, #tpu.memory_space<vmem_shared>> -> memref<80x128xf32, #tpu.memory_space<vmem_shared>>
      tpu.wait_dma2 semaphore(%run_scoped3A : memref<!tpu.dma_semaphore, #tpu.memory_space<semaphore_mem>>) src(%arg11 : memref<80x128xf32, #tpu.memory_space<vmem>>) dst(%dma_wait3A_104 : memref<80x128xf32, #tpu.memory_space<vmem_shared>>)
      tpu.yield
    }) : () -> ()
    %scan3A_38 = arith.constant 0 : i32
    %scan3A_39 = arith.constant 0 : i32
    %scan3A_40 = arith.constant 640 : i32
    %scan3A_41 = arith.addi %scan3A_39, %scan3A_40 : i32
    %scan3A_42 = arith.constant 1 : i32
    scf.for %scan3A_97 = %scan3A_39 to %scan3A_41 step %scan3A_42  : i32 {
      %broadcast_in_dim3A_98 = arith.constant 0.000000e+00 : f32
      %broadcast_in_dim3A_99 = vector.broadcast %broadcast_in_dim3A_98 : f32 to vector<16xf32>
      %mul3A_100 = arith.constant 16 : i32
      %mul3A_101 = arith.muli %scan3A_97, %mul3A_100 : i32
      %swap3A = arith.index_cast %mul3A_101 : i32 to index
      %swap3A_102 = tpu.vector_load %arg20[%swap3A] {strides = array<i32>} : memref<10240xf32, #tpu.memory_space<vmem>>, vector<16xf32>,
      tpu.vector_store %arg20[%swap3A], %broadcast_in_dim3A_99 {strides = array<i32>} : memref<10240xf32, #tpu.memory_space<vmem>>, vector<16xf32>,
    }
    %scan3A_43 = arith.constant 640 : i32
    %barrier3A = arith.constant 0 : index
    tpu.barrier barrier_id(%barrier3A)
    %mul3A_44 = arith.constant 10000 : i32
    %mul3A_45 = arith.muli %add3A, %mul3A_44 : i32
    %add3A_46 = arith.constant 0 : i32
    %add3A_47 = arith.addi %mul3A_45, %add3A_46 : i32
    %dma_start3A = tpu.memref_slice %arg3[%add3A_47] : memref<320000xi32, #tpu.memory_space<hbm>> -> memref<80xi32, #tpu.memory_space<hbm>>
    %dma_start3A_48 = tpu.memref_slice %arg3[%add3A_47] : memref<320000xi32, #tpu.memory_space<hbm>> -> memref<80xi32, #tpu.memory_space<hbm>>
    tpu.enqueue_dma source(%dma_start3A_48 : memref<80xi32, #tpu.memory_space<hbm>>) target(%arg7 : memref<80xi32, #tpu.memory_space<vmem>>) target_semaphore(%arg18 : memref<!tpu.dma_semaphore, #tpu.memory_space<semaphore_mem>>)
    %add3A_49 = arith.constant 0 : i32
    %add3A_50 = arith.addi %mul3A_45, %add3A_49 : i32
    %dma_start3A_51 = tpu.memref_slice %arg4[%add3A_50] : memref<320000xi32, #tpu.memory_space<hbm>> -> memref<80xi32, #tpu.memory_space<hbm>>
    %dma_start3A_52 = tpu.memref_slice %arg4[%add3A_50] : memref<320000xi32, #tpu.memory_space<hbm>> -> memref<80xi32, #tpu.memory_space<hbm>>
    tpu.enqueue_dma source(%dma_start3A_52 : memref<80xi32, #tpu.memory_space<hbm>>) target(%arg8 : memref<80xi32, #tpu.memory_space<vmem>>) target_semaphore(%arg18 : memref<!tpu.dma_semaphore, #tpu.memory_space<semaphore_mem>>)
    %add3A_53 = arith.constant 0 : i32
    %add3A_54 = arith.addi %mul3A_45, %add3A_53 : i32
    %dma_wait3A = tpu.memref_slice %arg3[%add3A_54] : memref<320000xi32, #tpu.memory_space<hbm>> -> memref<80xi32, #tpu.memory_space<hbm>>
    %dma_wait3A_55 = tpu.memref_slice %arg3[%add3A_54] : memref<320000xi32, #tpu.memory_space<hbm>> -> memref<80xi32, #tpu.memory_space<hbm>>
    tpu.wait_dma2 semaphore(%arg18 : memref<!tpu.dma_semaphore, #tpu.memory_space<semaphore_mem>>) src(%dma_wait3A_55 : memref<80xi32, #tpu.memory_space<hbm>>) dst(%arg7 : memref<80xi32, #tpu.memory_space<vmem>>)
    %add3A_56 = arith.constant 0 : i32
    %add3A_57 = arith.addi %mul3A_45, %add3A_56 : i32
    %dma_wait3A_58 = tpu.memref_slice %arg4[%add3A_57] : memref<320000xi32, #tpu.memory_space<hbm>> -> memref<80xi32, #tpu.memory_space<hbm>>
    %dma_wait3A_59 = tpu.memref_slice %arg4[%add3A_57] : memref<320000xi32, #tpu.memory_space<hbm>> -> memref<80xi32, #tpu.memory_space<hbm>>
    tpu.wait_dma2 semaphore(%arg18 : memref<!tpu.dma_semaphore, #tpu.memory_space<semaphore_mem>>) src(%dma_wait3A_59 : memref<80xi32, #tpu.memory_space<hbm>>) dst(%arg8 : memref<80xi32, #tpu.memory_space<vmem>>)
    %dma_start3A_60 = arith.constant 0 : i32
    %dma_start3A_61 = arith.constant 0 : i32
    %dma_start3A_62 = tpu.memref_slice %arg2[%dma_start3A_60, %dma_start3A_61] : memref<10000x128xf32, #tpu.memory_space<hbm>> -> memref<10000x128xf32, #tpu.memory_space<hbm>>
    tpu.enqueue_indirect_dma source(%dma_start3A_62 : memref<10000x128xf32, #tpu.memory_space<hbm>>) target(%arg11 : memref<80x128xf32, #tpu.memory_space<vmem>>) offsets(%arg7 : memref<80xi32, #tpu.memory_space<vmem>>) semaphore(%arg14 : memref<!tpu.dma_semaphore, #tpu.memory_space<semaphore_mem>>)
    %add3A_63 = arith.constant 80 : i32
    %add3A_64 = arith.addi %mul3A_45, %add3A_63 : i32
    %dma_start3A_65 = tpu.memref_slice %arg3[%add3A_64] : memref<320000xi32, #tpu.memory_space<hbm>> -> memref<80xi32, #tpu.memory_space<hbm>>
    %dma_start3A_66 = tpu.memref_slice %arg3[%add3A_64] : memref<320000xi32, #tpu.memory_space<hbm>> -> memref<80xi32, #tpu.memory_space<hbm>>
    tpu.enqueue_dma source(%dma_start3A_66 : memref<80xi32, #tpu.memory_space<hbm>>) target(%arg9 : memref<80xi32, #tpu.memory_space<vmem>>) target_semaphore(%arg19 : memref<!tpu.dma_semaphore, #tpu.memory_space<semaphore_mem>>)
    %add3A_67 = arith.constant 80 : i32
    %add3A_68 = arith.addi %mul3A_45, %add3A_67 : i32
    %dma_start3A_69 = tpu.memref_slice %arg4[%add3A_68] : memref<320000xi32, #tpu.memory_space<hbm>> -> memref<80xi32, #tpu.memory_space<hbm>>
    %dma_start3A_70 = tpu.memref_slice %arg4[%add3A_68] : memref<320000xi32, #tpu.memory_space<hbm>> -> memref<80xi32, #tpu.memory_space<hbm>>
    tpu.enqueue_dma source(%dma_start3A_70 : memref<80xi32, #tpu.memory_space<hbm>>) target(%arg10 : memref<80xi32, #tpu.memory_space<vmem>>) target_semaphore(%arg19 : memref<!tpu.dma_semaphore, #tpu.memory_space<semaphore_mem>>)
    %scan3A_71 = arith.constant 0 : i32
    %scan3A_72 = arith.constant 0 : i32
    %scan3A_73 = arith.constant 62 : i32
    %scan3A_74 = arith.addi %scan3A_72, %scan3A_73 : i32
    %scan3A_75 = arith.constant 1 : i32
    scf.for %scan3A_97 = %scan3A_72 to %scan3A_74 step %scan3A_75  : i32 {
      %mul3A_98 = arith.constant 2 : i32
      %mul3A_99 = arith.muli %mul3A_98, %scan3A_97 : i32
      %add3A_100 = arith.constant 1 : i32
      %add3A_101 = arith.addi %mul3A_99, %add3A_100 : i32
      %mul3A_102 = arith.constant 80 : i32
      %mul3A_103 = arith.muli %add3A_101, %mul3A_102 : i32
      %add3A_104 = arith.addi %mul3A_45, %mul3A_103 : i32
      %dma_wait3A_105 = tpu.memref_slice %arg3[%add3A_104] : memref<320000xi32, #tpu.memory_space<hbm>> -> memref<80xi32, #tpu.memory_space<hbm>>
      %dma_wait3A_106 = tpu.memref_slice %arg3[%add3A_104] : memref<320000xi32, #tpu.memory_space<hbm>> -> memref<80xi32, #tpu.memory_space<hbm>>
      tpu.wait_dma2 semaphore(%arg19 : memref<!tpu.dma_semaphore, #tpu.memory_space<semaphore_mem>>) src(%dma_wait3A_106 : memref<80xi32, #tpu.memory_space<hbm>>) dst(%arg9 : memref<80xi32, #tpu.memory_space<vmem>>)
      %mul3A_107 = arith.constant 80 : i32
      %mul3A_108 = arith.muli %add3A_101, %mul3A_107 : i32
      %add3A_109 = arith.addi %mul3A_45, %mul3A_108 : i32
      %dma_wait3A_110 = tpu.memref_slice %arg4[%add3A_109] : memref<320000xi32, #tpu.memory_space<hbm>> -> memref<80xi32, #tpu.memory_space<hbm>>
      %dma_wait3A_111 = tpu.memref_slice %arg4[%add3A_109] : memref<320000xi32, #tpu.memory_space<hbm>> -> memref<80xi32, #tpu.memory_space<hbm>>
      tpu.wait_dma2 semaphore(%arg19 : memref<!tpu.dma_semaphore, #tpu.memory_space<semaphore_mem>>) src(%dma_wait3A_111 : memref<80xi32, #tpu.memory_space<hbm>>) dst(%arg10 : memref<80xi32, #tpu.memory_space<vmem>>)
      %dma_start3A_112 = arith.constant 0 : i32
      %dma_start3A_113 = arith.constant 0 : i32
      %dma_start3A_114 = tpu.memref_slice %arg2[%dma_start3A_112, %dma_start3A_113] : memref<10000x128xf32, #tpu.memory_space<hbm>> -> memref<10000x128xf32, #tpu.memory_space<hbm>>
      tpu.enqueue_indirect_dma source(%dma_start3A_114 : memref<10000x128xf32, #tpu.memory_space<hbm>>) target(%arg12 : memref<80x128xf32, #tpu.memory_space<vmem>>) offsets(%arg9 : memref<80xi32, #tpu.memory_space<vmem>>) semaphore(%arg15 : memref<!tpu.dma_semaphore, #tpu.memory_space<semaphore_mem>>)
      %dma_wait3A_115 = arith.constant 0 : i32
      %dma_wait3A_116 = arith.constant 0 : i32
      %dma_wait3A_117 = tpu.memref_slice %arg2[%dma_wait3A_115, %dma_wait3A_116] : memref<10000x128xf32, #tpu.memory_space<hbm>> -> memref<10000x128xf32, #tpu.memory_space<hbm>>
      tpu.wait_indirect_dma semaphore(%arg14 : memref<!tpu.dma_semaphore, #tpu.memory_space<semaphore_mem>>) src(%dma_wait3A_117 : memref<10000x128xf32, #tpu.memory_space<hbm>>) dst(%arg11 : memref<80x128xf32, #tpu.memory_space<vmem>>)
      %dma_start3A_118 = arith.constant 0 : i32
      %dma_start3A_119 = arith.constant 0 : i32
      %dma_start3A_120 = tpu.memref_slice %arg13[%dma_start3A_118, %dma_start3A_119] : memref<10240x128xf32, #tpu.memory_space<vmem_shared>> -> memref<10240x128xf32, #tpu.memory_space<vmem_shared>>
      tpu.enqueue_indirect_dma source(%arg11 : memref<80x128xf32, #tpu.memory_space<vmem>>) target(%dma_start3A_120 : memref<10240x128xf32, #tpu.memory_space<vmem_shared>>) offsets(%arg8 : memref<80xi32, #tpu.memory_space<vmem>>) semaphore(%arg16 : memref<!tpu.dma_semaphore, #tpu.memory_space<semaphore_mem>>) {add = true}
      %broadcast_in_dim3A_121 = arith.constant 1.000000e+00 : f32
      %broadcast_in_dim3A_122 = vector.broadcast %broadcast_in_dim3A_121 : f32 to vector<16xf32>
      %get3A_123 = arith.constant 0 : index
      %get3A_124 = tpu.vector_load %arg8[%get3A_123] {strides = array<i32>} : memref<80xi32, #tpu.memory_space<vmem>>, vector<16xi32>,
      tpu.vector_store_idx %arg20[%get3A_124], %broadcast_in_dim3A_122 {add = true} : memref<10240xf32, #tpu.memory_space<vmem>>[vector<16xi32>], vector<16xf32>,
      %get3A_125 = arith.constant 16 : index
      %get3A_126 = tpu.vector_load %arg8[%get3A_125] {strides = array<i32>} : memref<80xi32, #tpu.memory_space<vmem>>, vector<16xi32>,
      tpu.vector_store_idx %arg20[%get3A_126], %broadcast_in_dim3A_122 {add = true} : memref<10240xf32, #tpu.memory_space<vmem>>[vector<16xi32>], vector<16xf32>,
      %get3A_127 = arith.constant 32 : index
      %get3A_128 = tpu.vector_load %arg8[%get3A_127] {strides = array<i32>} : memref<80xi32, #tpu.memory_space<vmem>>, vector<16xi32>,
      tpu.vector_store_idx %arg20[%get3A_128], %broadcast_in_dim3A_122 {add = true} : memref<10240xf32, #tpu.memory_space<vmem>>[vector<16xi32>], vector<16xf32>,
      %get3A_129 = arith.constant 48 : index
      %get3A_130 = tpu.vector_load %arg8[%get3A_129] {strides = array<i32>} : memref<80xi32, #tpu.memory_space<vmem>>, vector<16xi32>,
      tpu.vector_store_idx %arg20[%get3A_130], %broadcast_in_dim3A_122 {add = true} : memref<10240xf32, #tpu.memory_space<vmem>>[vector<16xi32>], vector<16xf32>,
      %get3A_131 = arith.constant 64 : index
      %get3A_132 = tpu.vector_load %arg8[%get3A_131] {strides = array<i32>} : memref<80xi32, #tpu.memory_space<vmem>>, vector<16xi32>,
      tpu.vector_store_idx %arg20[%get3A_132], %broadcast_in_dim3A_122 {add = true} : memref<10240xf32, #tpu.memory_space<vmem>>[vector<16xi32>], vector<16xf32>,
      %dma_wait3A_133 = arith.constant 0 : i32
      %dma_wait3A_134 = arith.constant 0 : i32
      %dma_wait3A_135 = tpu.memref_slice %arg13[%dma_wait3A_133, %dma_wait3A_134] : memref<10240x128xf32, #tpu.memory_space<vmem_shared>> -> memref<10240x128xf32, #tpu.memory_space<vmem_shared>>
      tpu.wait_indirect_dma semaphore(%arg16 : memref<!tpu.dma_semaphore, #tpu.memory_space<semaphore_mem>>) src(%arg11 : memref<80x128xf32, #tpu.memory_space<vmem>>) dst(%dma_wait3A_135 : memref<10240x128xf32, #tpu.memory_space<vmem_shared>>)
      %add3A_136 = arith.constant 2 : i32
      %add3A_137 = arith.addi %mul3A_99, %add3A_136 : i32
      %mul3A_138 = arith.constant 80 : i32
      %mul3A_139 = arith.muli %add3A_137, %mul3A_138 : i32
      %add3A_140 = arith.addi %mul3A_45, %mul3A_139 : i32
      %dma_start3A_141 = tpu.memref_slice %arg3[%add3A_140] : memref<320000xi32, #tpu.memory_space<hbm>> -> memref<80xi32, #tpu.memory_space<hbm>>
      %dma_start3A_142 = tpu.memref_slice %arg3[%add3A_140] : memref<320000xi32, #tpu.memory_space<hbm>> -> memref<80xi32, #tpu.memory_space<hbm>>
      tpu.enqueue_dma source(%dma_start3A_142 : memref<80xi32, #tpu.memory_space<hbm>>) target(%arg7 : memref<80xi32, #tpu.memory_space<vmem>>) target_semaphore(%arg18 : memref<!tpu.dma_semaphore, #tpu.memory_space<semaphore_mem>>)
      %mul3A_143 = arith.constant 80 : i32
      %mul3A_144 = arith.muli %add3A_137, %mul3A_143 : i32
      %add3A_145 = arith.addi %mul3A_45, %mul3A_144 : i32
      %dma_start3A_146 = tpu.memref_slice %arg4[%add3A_145] : memref<320000xi32, #tpu.memory_space<hbm>> -> memref<80xi32, #tpu.memory_space<hbm>>
      %dma_start3A_147 = tpu.memref_slice %arg4[%add3A_145] : memref<320000xi32, #tpu.memory_space<hbm>> -> memref<80xi32, #tpu.memory_space<hbm>>
      tpu.enqueue_dma source(%dma_start3A_147 : memref<80xi32, #tpu.memory_space<hbm>>) target(%arg8 : memref<80xi32, #tpu.memory_space<vmem>>) target_semaphore(%arg18 : memref<!tpu.dma_semaphore, #tpu.memory_space<semaphore_mem>>)
      %dma_wait3A_148 = arith.constant 0 : i32
      %dma_wait3A_149 = arith.constant 0 : i32
      %dma_wait3A_150 = tpu.memref_slice %arg2[%dma_wait3A_148, %dma_wait3A_149] : memref<10000x128xf32, #tpu.memory_space<hbm>> -> memref<10000x128xf32, #tpu.memory_space<hbm>>
      tpu.wait_indirect_dma semaphore(%arg15 : memref<!tpu.dma_semaphore, #tpu.memory_space<semaphore_mem>>) src(%dma_wait3A_150 : memref<10000x128xf32, #tpu.memory_space<hbm>>) dst(%arg12 : memref<80x128xf32, #tpu.memory_space<vmem>>)
      %dma_start3A_151 = arith.constant 0 : i32
      %dma_start3A_152 = arith.constant 0 : i32
      %dma_start3A_153 = tpu.memref_slice %arg13[%dma_start3A_151, %dma_start3A_152] : memref<10240x128xf32, #tpu.memory_space<vmem_shared>> -> memref<10240x128xf32, #tpu.memory_space<vmem_shared>>
      tpu.enqueue_indirect_dma source(%arg12 : memref<80x128xf32, #tpu.memory_space<vmem>>) target(%dma_start3A_153 : memref<10240x128xf32, #tpu.memory_space<vmem_shared>>) offsets(%arg10 : memref<80xi32, #tpu.memory_space<vmem>>) semaphore(%arg17 : memref<!tpu.dma_semaphore, #tpu.memory_space<semaphore_mem>>) {add = true}
      %broadcast_in_dim3A_154 = arith.constant 1.000000e+00 : f32
      %broadcast_in_dim3A_155 = vector.broadcast %broadcast_in_dim3A_154 : f32 to vector<16xf32>
      %get3A_156 = arith.constant 0 : index
      %get3A_157 = tpu.vector_load %arg10[%get3A_156] {strides = array<i32>} : memref<80xi32, #tpu.memory_space<vmem>>, vector<16xi32>,
      tpu.vector_store_idx %arg20[%get3A_157], %broadcast_in_dim3A_155 {add = true} : memref<10240xf32, #tpu.memory_space<vmem>>[vector<16xi32>], vector<16xf32>,
      %get3A_158 = arith.constant 16 : index
      %get3A_159 = tpu.vector_load %arg10[%get3A_158] {strides = array<i32>} : memref<80xi32, #tpu.memory_space<vmem>>, vector<16xi32>,
      tpu.vector_store_idx %arg20[%get3A_159], %broadcast_in_dim3A_155 {add = true} : memref<10240xf32, #tpu.memory_space<vmem>>[vector<16xi32>], vector<16xf32>,
      %get3A_160 = arith.constant 32 : index
      %get3A_161 = tpu.vector_load %arg10[%get3A_160] {strides = array<i32>} : memref<80xi32, #tpu.memory_space<vmem>>, vector<16xi32>,
      tpu.vector_store_idx %arg20[%get3A_161], %broadcast_in_dim3A_155 {add = true} : memref<10240xf32, #tpu.memory_space<vmem>>[vector<16xi32>], vector<16xf32>,
      %get3A_162 = arith.constant 48 : index
      %get3A_163 = tpu.vector_load %arg10[%get3A_162] {strides = array<i32>} : memref<80xi32, #tpu.memory_space<vmem>>, vector<16xi32>,
      tpu.vector_store_idx %arg20[%get3A_163], %broadcast_in_dim3A_155 {add = true} : memref<10240xf32, #tpu.memory_space<vmem>>[vector<16xi32>], vector<16xf32>,
      %get3A_164 = arith.constant 64 : index
      %get3A_165 = tpu.vector_load %arg10[%get3A_164] {strides = array<i32>} : memref<80xi32, #tpu.memory_space<vmem>>, vector<16xi32>,
      tpu.vector_store_idx %arg20[%get3A_165], %broadcast_in_dim3A_155 {add = true} : memref<10240xf32, #tpu.memory_space<vmem>>[vector<16xi32>], vector<16xf32>,
      %add3A_166 = arith.constant 2 : i32
      %add3A_167 = arith.addi %mul3A_99, %add3A_166 : i32
      %mul3A_168 = arith.constant 80 : i32
      %mul3A_169 = arith.muli %add3A_167, %mul3A_168 : i32
      %add3A_170 = arith.addi %mul3A_45, %mul3A_169 : i32
      %dma_wait3A_171 = tpu.memref_slice %arg3[%add3A_170] : memref<320000xi32, #tpu.memory_space<hbm>> -> memref<80xi32, #tpu.memory_space<hbm>>
      %dma_wait3A_172 = tpu.memref_slice %arg3[%add3A_170] : memref<320000xi32, #tpu.memory_space<hbm>> -> memref<80xi32, #tpu.memory_space<hbm>>
      tpu.wait_dma2 semaphore(%arg18 : memref<!tpu.dma_semaphore, #tpu.memory_space<semaphore_mem>>) src(%dma_wait3A_172 : memref<80xi32, #tpu.memory_space<hbm>>) dst(%arg7 : memref<80xi32, #tpu.memory_space<vmem>>)
      %mul3A_173 = arith.constant 80 : i32
      %mul3A_174 = arith.muli %add3A_167, %mul3A_173 : i32
      %add3A_175 = arith.addi %mul3A_45, %mul3A_174 : i32
      %dma_wait3A_176 = tpu.memref_slice %arg4[%add3A_175] : memref<320000xi32, #tpu.memory_space<hbm>> -> memref<80xi32, #tpu.memory_space<hbm>>
      %dma_wait3A_177 = tpu.memref_slice %arg4[%add3A_175] : memref<320000xi32, #tpu.memory_space<hbm>> -> memref<80xi32, #tpu.memory_space<hbm>>
      tpu.wait_dma2 semaphore(%arg18 : memref<!tpu.dma_semaphore, #tpu.memory_space<semaphore_mem>>) src(%dma_wait3A_177 : memref<80xi32, #tpu.memory_space<hbm>>) dst(%arg8 : memref<80xi32, #tpu.memory_space<vmem>>)
      %dma_start3A_178 = arith.constant 0 : i32
      %dma_start3A_179 = arith.constant 0 : i32
      %dma_start3A_180 = tpu.memref_slice %arg2[%dma_start3A_178, %dma_start3A_179] : memref<10000x128xf32, #tpu.memory_space<hbm>> -> memref<10000x128xf32, #tpu.memory_space<hbm>>
      tpu.enqueue_indirect_dma source(%dma_start3A_180 : memref<10000x128xf32, #tpu.memory_space<hbm>>) target(%arg11 : memref<80x128xf32, #tpu.memory_space<vmem>>) offsets(%arg7 : memref<80xi32, #tpu.memory_space<vmem>>) semaphore(%arg14 : memref<!tpu.dma_semaphore, #tpu.memory_space<semaphore_mem>>)
      %dma_wait3A_181 = arith.constant 0 : i32
      %dma_wait3A_182 = arith.constant 0 : i32
      %dma_wait3A_183 = tpu.memref_slice %arg13[%dma_wait3A_181, %dma_wait3A_182] : memref<10240x128xf32, #tpu.memory_space<vmem_shared>> -> memref<10240x128xf32, #tpu.memory_space<vmem_shared>>
      tpu.wait_indirect_dma semaphore(%arg17 : memref<!tpu.dma_semaphore, #tpu.memory_space<semaphore_mem>>) src(%arg12 : memref<80x128xf32, #tpu.memory_space<vmem>>) dst(%dma_wait3A_183 : memref<10240x128xf32, #tpu.memory_space<vmem_shared>>)
      %add3A_184 = arith.constant 1 : i32
      %add3A_185 = arith.addi %scan3A_97, %add3A_184 : i32
      %lt3A = arith.constant 62 : i32
      %lt3A_186 = arith.cmpi slt, %add3A_185, %lt3A : i32
      %convert_element_type3A = arith.extui %lt3A_186 : i1 to i32
      %cond3A = arith.constant 0 : i32
      %cond3A_187 = arith.cmpi ne, %convert_element_type3A, %cond3A : i32
      scf.if %cond3A_187 {
        %add3A_188 = arith.constant 3 : i32
        %add3A_189 = arith.addi %mul3A_99, %add3A_188 : i32
        %mul3A_190 = arith.constant 80 : i32
        %mul3A_191 = arith.muli %add3A_189, %mul3A_190 : i32
        %add3A_192 = arith.addi %mul3A_45, %mul3A_191 : i32
        %dma_start3A_193 = tpu.memref_slice %arg3[%add3A_192] : memref<320000xi32, #tpu.memory_space<hbm>> -> memref<80xi32, #tpu.memory_space<hbm>>
        %dma_start3A_194 = tpu.memref_slice %arg3[%add3A_192] : memref<320000xi32, #tpu.memory_space<hbm>> -> memref<80xi32, #tpu.memory_space<hbm>>
        tpu.enqueue_dma source(%dma_start3A_194 : memref<80xi32, #tpu.memory_space<hbm>>) target(%arg9 : memref<80xi32, #tpu.memory_space<vmem>>) target_semaphore(%arg19 : memref<!tpu.dma_semaphore, #tpu.memory_space<semaphore_mem>>)
        %mul3A_195 = arith.constant 80 : i32
        %mul3A_196 = arith.muli %add3A_189, %mul3A_195 : i32
        %add3A_197 = arith.addi %mul3A_45, %mul3A_196 : i32
        %dma_start3A_198 = tpu.memref_slice %arg4[%add3A_197] : memref<320000xi32, #tpu.memory_space<hbm>> -> memref<80xi32, #tpu.memory_space<hbm>>
        %dma_start3A_199 = tpu.memref_slice %arg4[%add3A_197] : memref<320000xi32, #tpu.memory_space<hbm>> -> memref<80xi32, #tpu.memory_space<hbm>>
        tpu.enqueue_dma source(%dma_start3A_199 : memref<80xi32, #tpu.memory_space<hbm>>) target(%arg10 : memref<80xi32, #tpu.memory_space<vmem>>) target_semaphore(%arg19 : memref<!tpu.dma_semaphore, #tpu.memory_space<semaphore_mem>>)
      } else {
      }
    }
    %scan3A_76 = arith.constant 62 : i32
    %dma_wait3A_77 = arith.constant 0 : i32
    %dma_wait3A_78 = arith.constant 0 : i32
    %dma_wait3A_79 = tpu.memref_slice %arg2[%dma_wait3A_77, %dma_wait3A_78] : memref<10000x128xf32, #tpu.memory_space<hbm>> -> memref<10000x128xf32, #tpu.memory_space<hbm>>
    tpu.wait_indirect_dma semaphore(%arg14 : memref<!tpu.dma_semaphore, #tpu.memory_space<semaphore_mem>>) src(%dma_wait3A_79 : memref<10000x128xf32, #tpu.memory_space<hbm>>) dst(%arg11 : memref<80x128xf32, #tpu.memory_space<vmem>>)
    "tpu.region"() ({
      %run_scoped3A = tpu.sem_alloc : memref<!tpu.dma_semaphore, #tpu.memory_space<semaphore_mem>>
      %dma_start3A_97 = arith.constant 0 : i32
      %dma_start3A_98 = arith.constant 0 : i32
      %dma_start3A_99 = tpu.memref_slice %arg13[%dma_start3A_97, %dma_start3A_98] : memref<10240x128xf32, #tpu.memory_space<vmem_shared>> -> memref<10240x128xf32, #tpu.memory_space<vmem_shared>>
      tpu.enqueue_indirect_dma source(%arg11 : memref<80x128xf32, #tpu.memory_space<vmem>>) target(%dma_start3A_99 : memref<10240x128xf32, #tpu.memory_space<vmem_shared>>) offsets(%arg8 : memref<80xi32, #tpu.memory_space<vmem>>) semaphore(%run_scoped3A : memref<!tpu.dma_semaphore, #tpu.memory_space<semaphore_mem>>) {add = true}
      %dma_wait3A_100 = arith.constant 0 : i32
      %dma_wait3A_101 = arith.constant 0 : i32
      %dma_wait3A_102 = tpu.memref_slice %arg13[%dma_wait3A_100, %dma_wait3A_101] : memref<10240x128xf32, #tpu.memory_space<vmem_shared>> -> memref<10240x128xf32, #tpu.memory_space<vmem_shared>>
      tpu.wait_indirect_dma semaphore(%run_scoped3A : memref<!tpu.dma_semaphore, #tpu.memory_space<semaphore_mem>>) src(%arg11 : memref<80x128xf32, #tpu.memory_space<vmem>>) dst(%dma_wait3A_102 : memref<10240x128xf32, #tpu.memory_space<vmem_shared>>)
      tpu.yield
    }) : () -> ()
    %broadcast_in_dim3A = arith.constant 1.000000e+00 : f32
    %broadcast_in_dim3A_80 = vector.broadcast %broadcast_in_dim3A : f32 to vector<16xf32>
    %get3A = arith.constant 0 : index
    %get3A_81 = tpu.vector_load %arg8[%get3A] {strides = array<i32>} : memref<80xi32, #tpu.memory_space<vmem>>, vector<16xi32>,
    tpu.vector_store_idx %arg20[%get3A_81], %broadcast_in_dim3A_80 {add = true} : memref<10240xf32, #tpu.memory_space<vmem>>[vector<16xi32>], vector<16xf32>,
    %get3A_82 = arith.constant 16 : index
    %get3A_83 = tpu.vector_load %arg8[%get3A_82] {strides = array<i32>} : memref<80xi32, #tpu.memory_space<vmem>>, vector<16xi32>,
    tpu.vector_store_idx %arg20[%get3A_83], %broadcast_in_dim3A_80 {add = true} : memref<10240xf32, #tpu.memory_space<vmem>>[vector<16xi32>], vector<16xf32>,
    %get3A_84 = arith.constant 32 : index
    %get3A_85 = tpu.vector_load %arg8[%get3A_84] {strides = array<i32>} : memref<80xi32, #tpu.memory_space<vmem>>, vector<16xi32>,
    tpu.vector_store_idx %arg20[%get3A_85], %broadcast_in_dim3A_80 {add = true} : memref<10240xf32, #tpu.memory_space<vmem>>[vector<16xi32>], vector<16xf32>,
    %get3A_86 = arith.constant 48 : index
    %get3A_87 = tpu.vector_load %arg8[%get3A_86] {strides = array<i32>} : memref<80xi32, #tpu.memory_space<vmem>>, vector<16xi32>,
    tpu.vector_store_idx %arg20[%get3A_87], %broadcast_in_dim3A_80 {add = true} : memref<10240xf32, #tpu.memory_space<vmem>>[vector<16xi32>], vector<16xf32>,
    %get3A_88 = arith.constant 64 : index
    %get3A_89 = tpu.vector_load %arg8[%get3A_88] {strides = array<i32>} : memref<80xi32, #tpu.memory_space<vmem>>, vector<16xi32>,
    tpu.vector_store_idx %arg20[%get3A_89], %broadcast_in_dim3A_80 {add = true} : memref<10240xf32, #tpu.memory_space<vmem>>[vector<16xi32>], vector<16xf32>,
    %barrier3A_90 = arith.constant 0 : index
    tpu.barrier barrier_id(%barrier3A_90)
    %mul3A_91 = arith.constant 640 : i32
    %mul3A_92 = arith.muli %arg1, %mul3A_91 : i32
    %mul3A_93 = arith.constant 640 : i32
    %mul3A_94 = arith.muli %arg1, %mul3A_93 : i32
    "tpu.region"() ({
      %run_scoped3A = tpu.sem_alloc : memref<!tpu.dma_semaphore, #tpu.memory_space<semaphore_mem>>
      %dma_start3A_97 = arith.constant 0 : i32
      %dma_start3A_98 = tpu.memref_slice %arg5[%arg0, %mul3A_94, %dma_start3A_97] : memref<2x10240x128xf32, #tpu.memory_space<hbm>> -> memref<1x640x128xf32, #tpu.memory_space<hbm>>
      %dma_start3A_99 = tpu.memref_squeeze %dma_start3A_98 : memref<1x640x128xf32, #tpu.memory_space<hbm>> -> memref<640x128xf32, #tpu.memory_space<hbm>>
      %dma_start3A_100 = arith.constant 0 : i32
      %dma_start3A_101 = tpu.memref_slice %arg13[%mul3A_92, %dma_start3A_100] : memref<10240x128xf32, #tpu.memory_space<vmem_shared>> -> memref<640x128xf32, #tpu.memory_space<vmem_shared>>
      tpu.enqueue_dma source(%dma_start3A_101 : memref<640x128xf32, #tpu.memory_space<vmem_shared>>) target(%dma_start3A_99 : memref<640x128xf32, #tpu.memory_space<hbm>>) target_semaphore(%run_scoped3A : memref<!tpu.dma_semaphore, #tpu.memory_space<semaphore_mem>>)
      %dma_wait3A_102 = arith.constant 0 : i32
      %dma_wait3A_103 = tpu.memref_slice %arg5[%arg0, %mul3A_94, %dma_wait3A_102] : memref<2x10240x128xf32, #tpu.memory_space<hbm>> -> memref<1x640x128xf32, #tpu.memory_space<hbm>>
      %dma_wait3A_104 = tpu.memref_squeeze %dma_wait3A_103 : memref<1x640x128xf32, #tpu.memory_space<hbm>> -> memref<640x128xf32, #tpu.memory_space<hbm>>
      %dma_wait3A_105 = arith.constant 0 : i32
      %dma_wait3A_106 = tpu.memref_slice %arg13[%mul3A_92, %dma_wait3A_105] : memref<10240x128xf32, #tpu.memory_space<vmem_shared>> -> memref<640x128xf32, #tpu.memory_space<vmem_shared>>
      tpu.wait_dma2 semaphore(%run_scoped3A : memref<!tpu.dma_semaphore, #tpu.memory_space<semaphore_mem>>) src(%dma_wait3A_106 : memref<640x128xf32, #tpu.memory_space<vmem_shared>>) dst(%dma_wait3A_104 : memref<640x128xf32, #tpu.memory_space<hbm>>)
      tpu.yield
    }) : () -> ()
    %mul3A_95 = arith.constant 10240 : i32
    %mul3A_96 = arith.muli %add3A, %mul3A_95 : i32
    "tpu.region"() ({
      %run_scoped3A = tpu.sem_alloc : memref<!tpu.dma_semaphore, #tpu.memory_space<semaphore_mem>>
      %dma_start3A_97 = tpu.memref_slice %arg6[%mul3A_96] : memref<327680xf32, #tpu.memory_space<hbm>> -> memref<10240xf32, #tpu.memory_space<hbm>>
      %dma_start3A_98 = tpu.memref_slice %arg6[%mul3A_96] : memref<327680xf32, #tpu.memory_space<hbm>> -> memref<10240xf32, #tpu.memory_space<hbm>>
      tpu.enqueue_dma source(%arg20 : memref<10240xf32, #tpu.memory_space<vmem>>) target(%dma_start3A_98 : memref<10240xf32, #tpu.memory_space<hbm>>) target_semaphore(%run_scoped3A : memref<!tpu.dma_semaphore, #tpu.memory_space<semaphore_mem>>)
      %dma_wait3A_99 = tpu.memref_slice %arg6[%mul3A_96] : memref<327680xf32, #tpu.memory_space<hbm>> -> memref<10240xf32, #tpu.memory_space<hbm>>
      %dma_wait3A_100 = tpu.memref_slice %arg6[%mul3A_96] : memref<327680xf32, #tpu.memory_space<hbm>> -> memref<10240xf32, #tpu.memory_space<hbm>>
      tpu.wait_dma2 semaphore(%run_scoped3A : memref<!tpu.dma_semaphore, #tpu.memory_space<semaphore_mem>>) src(%arg20 : memref<10240xf32, #tpu.memory_space<vmem>>) dst(%dma_wait3A_100 : memref<10240xf32, #tpu.memory_space<hbm>>)
      tpu.yield
    }) : () -> ()
    return
  }
}

module attributes {stable_mosaic.version = 14 : i64} {
  func.func @_combine_body(%arg0: i32, %arg1: memref<2x1024x128xf32, #tpu.memory_space<vmem>>, %arg2: memref<32x1024xf32, #tpu.memory_space<vmem>>, %arg3: memref<1024x128xf32, #tpu.memory_space<vmem>>, %arg4: memref<128x128xf32, #tpu.memory_space<vmem>>, %arg5: memref<1x128xf32, #tpu.memory_space<vmem>>, %arg6: memref<128x128xf32, #tpu.memory_space<vmem>>, %arg7: memref<1024x128xf32, #tpu.memory_space<vmem>>) attributes {dimension_semantics = [#tpu.dimension_semantics<arbitrary>], iteration_bounds = array<i64: 10>, scalar_prefetch = 0 : i64, scratch_operands = 0 : i64, tpu.core_type = #tpu.core_type<tc>, window_params = [{transform_indices = @transform_0, window_bounds = array<i64: 2, 1024, 128>}, {transform_indices = @transform_1, window_bounds = array<i64: 32, 1024>}, {transform_indices = @transform_2, window_bounds = array<i64: 1024, 128>}, {pipeline_mode = #tpu.pipeline_mode<synchronous>, transform_indices = @transform_3, window_bounds = array<i64: 128, 128>}, {pipeline_mode = #tpu.pipeline_mode<synchronous>, transform_indices = @transform_4, window_bounds = array<i64: 1, 128>}, {pipeline_mode = #tpu.pipeline_mode<synchronous>, transform_indices = @transform_5, window_bounds = array<i64: 128, 128>}, {transform_indices = @transform_6, window_bounds = array<i64: 1024, 128>}]} {
    %get3A = arith.constant 0 : index
    %get3A_0 = arith.constant 0 : index
    %get3A_1 = vector.load %arg2[%get3A, %get3A_0] : memref<32x1024xf32, #tpu.memory_space<vmem>>, vector<32x1024xf32>
    %reduce_sum3A = arith.constant dense<0.000000e+00> : vector<1024xf32>
    %reduce_sum3A_2 = vector.multi_reduction <add>, %get3A_1, %reduce_sum3A [0] : vector<32x1024xf32> to vector<1024xf32>
    %max3A = arith.constant 1.000000e+00 : f32
    %max3A_3 = vector.broadcast %max3A : f32 to vector<1024xf32>
    %max3A_4 = arith.maximumf %reduce_sum3A_2, %max3A_3 : vector<1024xf32>
    %broadcast_in_dim3A = vector.shape_cast %max3A_4 : vector<1024xf32> to vector<1024x1xf32>
    %get3A_5 = arith.constant 0 : index
    %get3A_6 = arith.constant 0 : index
    %get3A_7 = arith.constant 0 : index
    %get3A_8 = vector.load %arg1[%get3A_5, %get3A_6, %get3A_7] : memref<2x1024x128xf32, #tpu.memory_space<vmem>>, vector<1x1024x128xf32>
    %get3A_9 = vector.shape_cast %get3A_8 : vector<1x1024x128xf32> to vector<1024x128xf32>
    %get3A_10 = arith.constant 1 : index
    %get3A_11 = arith.constant 0 : index
    %get3A_12 = arith.constant 0 : index
    %get3A_13 = vector.load %arg1[%get3A_10, %get3A_11, %get3A_12] : memref<2x1024x128xf32, #tpu.memory_space<vmem>>, vector<1x1024x128xf32>
    %get3A_14 = vector.shape_cast %get3A_13 : vector<1x1024x128xf32> to vector<1024x128xf32>
    %add3A = arith.addf %get3A_9, %get3A_14 : vector<1024x128xf32>
    %div3A = vector.broadcast %broadcast_in_dim3A : vector<1024x1xf32> to vector<1024x128xf32>
    %div3A_15 = arith.divf %add3A, %div3A : vector<1024x128xf32>
    %get3A_16 = arith.constant 0 : index
    %get3A_17 = arith.constant 0 : index
    %get3A_18 = vector.load %arg4[%get3A_16, %get3A_17] : memref<128x128xf32, #tpu.memory_space<vmem>>, vector<128x128xf32>
    %dot_general3A = arith.constant dense<0.000000e+00> : vector<1024x128xf32>
    %dot_general3A_19 = tpu.matmul %div3A_15, %get3A_18, %dot_general3A {dimension_numbers = #tpu.dot_dimension_numbers<[1], [1], [0], [0], [0, 0, 1, 0], [], []>, transpose_lhs_hint = false} : vector<1024x128xf32>, vector<128x128xf32>, vector<1024x128xf32> -> vector<1024x128xf32>
    %get3A_20 = arith.constant 0 : index
    %get3A_21 = arith.constant 0 : index
    %get3A_22 = vector.load %arg5[%get3A_20, %get3A_21] : memref<1x128xf32, #tpu.memory_space<vmem>>, vector<1x128xf32>
    %add3A_23 = vector.broadcast %get3A_22 : vector<1x128xf32> to vector<1024x128xf32>
    %add3A_24 = arith.addf %dot_general3A_19, %add3A_23 : vector<1024x128xf32>
    %get3A_25 = arith.constant 0 : index
    %get3A_26 = arith.constant 0 : index
    %get3A_27 = vector.load %arg3[%get3A_25, %get3A_26] : memref<1024x128xf32, #tpu.memory_space<vmem>>, vector<1024x128xf32>
    %get3A_28 = arith.constant 0 : index
    %get3A_29 = arith.constant 0 : index
    %get3A_30 = vector.load %arg6[%get3A_28, %get3A_29] : memref<128x128xf32, #tpu.memory_space<vmem>>, vector<128x128xf32>
    %dot_general3A_31 = arith.constant dense<0.000000e+00> : vector<1024x128xf32>
    %dot_general3A_32 = tpu.matmul %get3A_27, %get3A_30, %dot_general3A_31 {dimension_numbers = #tpu.dot_dimension_numbers<[1], [1], [0], [0], [0, 0, 1, 0], [], []>, transpose_lhs_hint = false} : vector<1024x128xf32>, vector<128x128xf32>, vector<1024x128xf32> -> vector<1024x128xf32>
    %add3A_33 = arith.addf %add3A_24, %dot_general3A_32 : vector<1024x128xf32>
    %max3A_34 = arith.constant 0.000000e+00 : f32
    %max3A_35 = vector.broadcast %max3A_34 : f32 to vector<1024x128xf32>
    %max3A_36 = arith.maximumf %add3A_33, %max3A_35 : vector<1024x128xf32>
    %swap3A = arith.constant 0 : index
    %swap3A_37 = arith.constant 0 : index
    %swap3A_38 = vector.load %arg7[%swap3A, %swap3A_37] : memref<1024x128xf32, #tpu.memory_space<vmem>>, vector<1024x128xf32>
    tpu.vector_store %arg7[%swap3A, %swap3A_37], %max3A_36 {strides = array<i32>} : memref<1024x128xf32, #tpu.memory_space<vmem>>, vector<1024x128xf32>,
    return
  }
  func.func @transform_0(%arg0: i32) -> (i32, i32, i32) {
    %c0_i32 = arith.constant 0 : i32
    %c0_i32_0 = arith.constant 0 : i32
    %c0_i32_1 = arith.constant 0 : i32
    return %c0_i32, %arg0, %c0_i32_0 : i32, i32, i32
  }
  func.func @transform_1(%arg0: i32) -> (i32, i32) {
    %c0_i32 = arith.constant 0 : i32
    %c0_i32_0 = arith.constant 0 : i32
    return %c0_i32, %arg0 : i32, i32
  }
  func.func @transform_2(%arg0: i32) -> (i32, i32) {
    %c0_i32 = arith.constant 0 : i32
    %c0_i32_0 = arith.constant 0 : i32
    return %arg0, %c0_i32 : i32, i32
  }
  func.func @transform_3(%arg0: i32) -> (i32, i32) {
    %c0_i32 = arith.constant 0 : i32
    %c0_i32_0 = arith.constant 0 : i32
    %c0_i32_1 = arith.constant 0 : i32
    return %c0_i32, %c0_i32_0 : i32, i32
  }
  func.func @transform_4(%arg0: i32) -> (i32, i32) {
    %c0_i32 = arith.constant 0 : i32
    %c0_i32_0 = arith.constant 0 : i32
    %c0_i32_1 = arith.constant 0 : i32
    return %c0_i32, %c0_i32_0 : i32, i32
  }
  func.func @transform_5(%arg0: i32) -> (i32, i32) {
    %c0_i32 = arith.constant 0 : i32
    %c0_i32_0 = arith.constant 0 : i32
    %c0_i32_1 = arith.constant 0 : i32
    return %c0_i32, %c0_i32_0 : i32, i32
  }
  func.func @transform_6(%arg0: i32) -> (i32, i32) {
    %c0_i32 = arith.constant 0 : i32
    %c0_i32_0 = arith.constant 0 : i32
    return %arg0, %c0_i32 : i32, i32
  }
}

module attributes {stable_mosaic.version = 14 : i64} {
  func.func @_combine_body(%arg0: i32, %arg1: memref<2x1024x128xf32, #tpu.memory_space<vmem>>, %arg2: memref<32x1024xf32, #tpu.memory_space<vmem>>, %arg3: memref<1024x128xf32, #tpu.memory_space<vmem>>, %arg4: memref<128x128xf32, #tpu.memory_space<vmem>>, %arg5: memref<1x128xf32, #tpu.memory_space<vmem>>, %arg6: memref<128x128xf32, #tpu.memory_space<vmem>>, %arg7: memref<1024x128xf32, #tpu.memory_space<vmem>>) attributes {dimension_semantics = [#tpu.dimension_semantics<arbitrary>], iteration_bounds = array<i64: 10>, scalar_prefetch = 0 : i64, scratch_operands = 0 : i64, tpu.core_type = #tpu.core_type<tc>, window_params = [{transform_indices = @transform_0, window_bounds = array<i64: 2, 1024, 128>}, {transform_indices = @transform_1, window_bounds = array<i64: 32, 1024>}, {transform_indices = @transform_2, window_bounds = array<i64: 1024, 128>}, {pipeline_mode = #tpu.pipeline_mode<synchronous>, transform_indices = @transform_3, window_bounds = array<i64: 128, 128>}, {pipeline_mode = #tpu.pipeline_mode<synchronous>, transform_indices = @transform_4, window_bounds = array<i64: 1, 128>}, {pipeline_mode = #tpu.pipeline_mode<synchronous>, transform_indices = @transform_5, window_bounds = array<i64: 128, 128>}, {transform_indices = @transform_6, window_bounds = array<i64: 1024, 128>}]} {
    %get3A = arith.constant 0 : index
    %get3A_0 = arith.constant 0 : index
    %get3A_1 = vector.load %arg2[%get3A, %get3A_0] : memref<32x1024xf32, #tpu.memory_space<vmem>>, vector<32x1024xf32>
    %reduce_sum3A = arith.constant dense<0.000000e+00> : vector<1024xf32>
    %reduce_sum3A_2 = vector.multi_reduction <add>, %get3A_1, %reduce_sum3A [0] : vector<32x1024xf32> to vector<1024xf32>
    %max3A = arith.constant 1.000000e+00 : f32
    %max3A_3 = vector.broadcast %max3A : f32 to vector<1024xf32>
    %max3A_4 = arith.maximumf %reduce_sum3A_2, %max3A_3 : vector<1024xf32>
    %broadcast_in_dim3A = vector.shape_cast %max3A_4 : vector<1024xf32> to vector<1024x1xf32>
    %get3A_5 = arith.constant 0 : index
    %get3A_6 = arith.constant 0 : index
    %get3A_7 = arith.constant 0 : index
    %get3A_8 = vector.load %arg1[%get3A_5, %get3A_6, %get3A_7] : memref<2x1024x128xf32, #tpu.memory_space<vmem>>, vector<1x1024x128xf32>
    %get3A_9 = vector.shape_cast %get3A_8 : vector<1x1024x128xf32> to vector<1024x128xf32>
    %get3A_10 = arith.constant 1 : index
    %get3A_11 = arith.constant 0 : index
    %get3A_12 = arith.constant 0 : index
    %get3A_13 = vector.load %arg1[%get3A_10, %get3A_11, %get3A_12] : memref<2x1024x128xf32, #tpu.memory_space<vmem>>, vector<1x1024x128xf32>
    %get3A_14 = vector.shape_cast %get3A_13 : vector<1x1024x128xf32> to vector<1024x128xf32>
    %add3A = arith.addf %get3A_9, %get3A_14 : vector<1024x128xf32>
    %div3A = vector.broadcast %broadcast_in_dim3A : vector<1024x1xf32> to vector<1024x128xf32>
    %div3A_15 = arith.divf %add3A, %div3A : vector<1024x128xf32>
    %get3A_16 = arith.constant 0 : index
    %get3A_17 = arith.constant 0 : index
    %get3A_18 = vector.load %arg4[%get3A_16, %get3A_17] : memref<128x128xf32, #tpu.memory_space<vmem>>, vector<128x128xf32>
    %dot_general3A = arith.constant dense<0.000000e+00> : vector<1024x128xf32>
    %dot_general3A_19 = tpu.matmul %div3A_15, %get3A_18, %dot_general3A {dimension_numbers = #tpu.dot_dimension_numbers<[1], [1], [0], [0], [0, 0, 1, 0], [], []>, transpose_lhs_hint = false} : vector<1024x128xf32>, vector<128x128xf32>, vector<1024x128xf32> -> vector<1024x128xf32>
    %get3A_20 = arith.constant 0 : index
    %get3A_21 = arith.constant 0 : index
    %get3A_22 = vector.load %arg5[%get3A_20, %get3A_21] : memref<1x128xf32, #tpu.memory_space<vmem>>, vector<1x128xf32>
    %add3A_23 = vector.broadcast %get3A_22 : vector<1x128xf32> to vector<1024x128xf32>
    %add3A_24 = arith.addf %dot_general3A_19, %add3A_23 : vector<1024x128xf32>
    %get3A_25 = arith.constant 0 : index
    %get3A_26 = arith.constant 0 : index
    %get3A_27 = vector.load %arg3[%get3A_25, %get3A_26] : memref<1024x128xf32, #tpu.memory_space<vmem>>, vector<1024x128xf32>
    %get3A_28 = arith.constant 0 : index
    %get3A_29 = arith.constant 0 : index
    %get3A_30 = vector.load %arg6[%get3A_28, %get3A_29] : memref<128x128xf32, #tpu.memory_space<vmem>>, vector<128x128xf32>
    %dot_general3A_31 = arith.constant dense<0.000000e+00> : vector<1024x128xf32>
    %dot_general3A_32 = tpu.matmul %get3A_27, %get3A_30, %dot_general3A_31 {dimension_numbers = #tpu.dot_dimension_numbers<[1], [1], [0], [0], [0, 0, 1, 0], [], []>, transpose_lhs_hint = false} : vector<1024x128xf32>, vector<128x128xf32>, vector<1024x128xf32> -> vector<1024x128xf32>
    %add3A_33 = arith.addf %add3A_24, %dot_general3A_32 : vector<1024x128xf32>
    %swap3A = arith.constant 0 : index
    %swap3A_34 = arith.constant 0 : index
    %swap3A_35 = vector.load %arg7[%swap3A, %swap3A_34] : memref<1024x128xf32, #tpu.memory_space<vmem>>, vector<1024x128xf32>
    tpu.vector_store %arg7[%swap3A, %swap3A_34], %add3A_33 {strides = array<i32>} : memref<1024x128xf32, #tpu.memory_space<vmem>>, vector<1024x128xf32>,
    return
  }
  func.func @transform_0(%arg0: i32) -> (i32, i32, i32) {
    %c0_i32 = arith.constant 0 : i32
    %c0_i32_0 = arith.constant 0 : i32
    %c0_i32_1 = arith.constant 0 : i32
    return %c0_i32, %arg0, %c0_i32_0 : i32, i32, i32
  }
  func.func @transform_1(%arg0: i32) -> (i32, i32) {
    %c0_i32 = arith.constant 0 : i32
    %c0_i32_0 = arith.constant 0 : i32
    return %c0_i32, %arg0 : i32, i32
  }
  func.func @transform_2(%arg0: i32) -> (i32, i32) {
    %c0_i32 = arith.constant 0 : i32
    %c0_i32_0 = arith.constant 0 : i32
    return %arg0, %c0_i32 : i32, i32
  }
  func.func @transform_3(%arg0: i32) -> (i32, i32) {
    %c0_i32 = arith.constant 0 : i32
    %c0_i32_0 = arith.constant 0 : i32
    %c0_i32_1 = arith.constant 0 : i32
    return %c0_i32, %c0_i32_0 : i32, i32
  }
  func.func @transform_4(%arg0: i32) -> (i32, i32) {
    %c0_i32 = arith.constant 0 : i32
    %c0_i32_0 = arith.constant 0 : i32
    %c0_i32_1 = arith.constant 0 : i32
    return %c0_i32, %c0_i32_0 : i32, i32
  }
  func.func @transform_5(%arg0: i32) -> (i32, i32) {
    %c0_i32 = arith.constant 0 : i32
    %c0_i32_0 = arith.constant 0 : i32
    %c0_i32_1 = arith.constant 0 : i32
    return %c0_i32, %c0_i32_0 : i32, i32
  }
  func.func @transform_6(%arg0: i32) -> (i32, i32) {
    %c0_i32 = arith.constant 0 : i32
    %c0_i32_0 = arith.constant 0 : i32
    return %arg0, %c0_i32 : i32, i32
  }
}

</mosaic_0001>

<sc_bundles>
// kernel: kernel.6.cloned.1.call-start
scs
__scs_entry_jumppad:
0x0: {  	(pc) =	sbr.rel $0x88, $3  }
0x1: {  	(tag) =	ssettag $0x0;
	lr =	simm.s32 $0x1  }
0x2: {  	[smem:$0x3F99] =	sst lr;
	_ =	strace $0xD0000000  }
0x3: {  	_ = 	snop  }
0x4: {  	_ = 	snop  }
0x5: {  	_ = 	snop  }
0x6: {  	_ = 	snop  }
0x7: {  	_ = 	snop  }
__scs_overlays_trampoline_lowered:
0x8: {  	[smem:$0x3FA8] =	sst s0  }
0x9: {  	[smem:$0x3FA9] =	sst s1  }
0xa: {  	[smem:$0x3FAA] =	sst s2  }
0xb: {  	[smem:$0x3FAB] =	sst s3  }
0xc: {  	[smem:$0x3FAC] =	sst s4  }
0xd: {  	[smem:$0x3FAD] =	sst s5  }
0xe: {  	[smem:$0x3FAE] =	sst s6  }
0xf: {  	[smem:$0x3FAF] =	sst s7  }
0x10: {  	[smem:$0x3FB0] =	sst s8  }
0x11: {  	[smem:$0x3FB1] =	sst s9;
	s0 =	simm.s32 @!p0 $0x0  }
0x12: {  	s1 =	sld [smem:$0x3F97];
	s0 =	simm.s32 @p0 $0x1  }
0x13: {  	[smem:$0x3FB2] =	sst s0;
	s0 =	simm.s32 @!p1 $0x0  }
0x14: {  	s2 =	sld [smem:$0x3F96];
	s0 =	simm.s32 @p1 $0x1  }
0x15: {  	[smem:$0x3FB3] =	sst s0;
	s0 =	simm.s32 @!p2 $0x0  }
0x16: {  	s3 =	sld [smem:$0x3FDB];
	s0 =	simm.s32 @p2 $0x1  }
0x17: {  	s4 =	simm.s32 $0x1BF5;
	[smem:$0x3FB5] =	sst s0  }
0x18: {  	s0 =	sld [smem:$0x3F98];
	_ =	swait.ge [sflag:s4], $0x0  }
0x19: {  	s7 =	sld [smem:$0x3F99]  }
0x1a: {  	s8 =	sadd.s32 $0xFFFFE003, lr  }
0x1b: {  	s9 =	sadd.s32 $0xFFFFFEF7, lr;
	s5 =	simm.s32 $0xFFFFFFFF;
	p2 =	slt.u32 s8, $0xFFFFF086  }
0x1c: {  	p1 =	slt.u32 s9, $0xF7A;
	s5 =	simm.s32 @!p2 $0x0  }
0x1d: {  	s5 =	simm.s32 @p1 $0x1;
	p0 =	seq.s32 s7, s2  }
0x1e: {  	s7 =	smul.u32 @!p0 $0xF7A, s2;
	p2 =	seq.s32 @!p0 s5, $0x0  }
0x1f: {  	s9 =	smul.u32 $0xF7A, s1;
	s8 =	simm.s32 @!p0 $0x1BF5;
	p2 =	por !p2, p0  }
0x20: {  	[sflag:s8] =	ssyncset.s32 @!p0 $0xFFFFF086;
	s6 =	sadd.s32 @!p0 s3, s7;
	s7 =	simm.s32 @!p0 $0x108  }
0x21: {  	s3 =	sadd.s32 s3, s9;
	s6 =	sadd.s32 @!p0 $0x88, s6;
	s7 =	simm.s32 @p2 $0x1082  }
0x22: {  	[simem:s7], [sflag:s8] =	dma.local @!p0 [hbm:s6], $0xF7A  }
0x23: {  	s9 =	sor.u32 $0xD0000000, s2;
	s6 =	simm.s32 $0x108;
	_ =	swait.ge @!p0 [sflag:s8], $0x0  }
0x24: {  	s3 =	sadd.s32 $0x88, s3;
	s6 =	simm.s32 @!p1 $0x1082;
	[sflag:s4] =	ssyncset.s32 $0xFFFFF086  }
0x25: {  	[simem:s6], [sflag:s4] =	dma.local [hbm:s3], $0xF7A  }
0x26: {  	[smem:$0x3F99] =	sst s1;
	(tag) =	ssettag s2;
	_ =	strace s9  }
0x27: {  	s1 =	sld [smem:$0x3FA9]  }
0x28: {  	s2 =	sld [smem:$0x3FAA]  }
0x29: {  	s4 =	sld [smem:$0x3FAC]  }
0x2a: {  	p0 =	seq.s32 s5, $0x0;
	s5 =	sld [smem:$0x3FAD]  }
0x2b: {  	s6 =	sld [smem:$0x3FAE]  }
0x2c: {  	s7 =	sld [smem:$0x3FAF]  }
0x2d: {  	s3 =	simm.s32 $0x108;
	s8 =	sld [smem:$0x3FB0]  }
0x2e: {  	s3 =	simm.s32 @!p0 $0x1082;
	s9 =	sld [smem:$0x3FB1]  }
0x2f: {  	lr =	sadd.s32 s0, s3;
	s0 =	sld [smem:$0x3FA8]  }
0x30: {  	s3 =	sld [smem:$0x3FAB]  }
0x31: {  	[smem:$0x3FB4] =	sst s10  }
0x32: {  	s10 =	sld [smem:$0x3FB2];
	_ =	sdelay $0x3  }
0x33: {  	p0 =	seq.s32 s10, $0x1;
	s10 =	sld [smem:$0x3FB4];
	_ =	sdelay $0x3  }
0x34: {  	[smem:$0x3FB4] =	sst s10  }
0x35: {  	s10 =	sld [smem:$0x3FB3];
	_ =	sdelay $0x3  }
0x36: {  	p1 =	seq.s32 s10, $0x1;
	s10 =	sld [smem:$0x3FB4];
	_ =	sdelay $0x3  }
0x37: {  	[smem:$0x3FB4] =	sst s10  }
0x38: {  	s10 =	sld [smem:$0x3FB5]  }
0x39: {  	_ = 	snop;
	(pc) =	sbr.ind lr, $3  }
0x3a: {  	_ = 	snop  }
0x3b: {  	_ = 	snop  }
0x3c: {  	p2 =	seq.s32 s10, $0x1;
	s10 =	sld [smem:$0x3FB4]  }
0x3d: {  	_ =	shalt  }
0x3e: {  	_ =	shalt  }
0x3f: {  	_ =	shalt  }
0x40: {  	_ =	shalt  }
0x41: {  	_ =	shalt  }
0x42: {  	_ =	shalt  }
0x43: {  	_ =	shalt  }
0x44: {  	_ =	shalt  }
0x45: {  	_ =	shalt  }
0x46: {  	_ =	shalt  }
0x47: {  	_ =	shalt  }
0x48: {  	_ =	shalt  }
0x49: {  	_ =	shalt  }
0x4a: {  	_ =	shalt  }
0x4b: {  	_ =	shalt  }
0x4c: {  	_ =	shalt  }
0x4d: {  	_ =	shalt  }
0x4e: {  	_ =	shalt  }
0x4f: {  	_ =	shalt  }
0x50: {  	_ =	shalt  }
0x51: {  	_ =	shalt  }
0x52: {  	_ =	shalt  }
0x53: {  	_ =	shalt  }
0x54: {  	_ =	shalt  }
0x55: {  	_ =	shalt  }
0x56: {  	_ =	shalt  }
0x57: {  	_ =	shalt  }
0x58: {  	_ =	shalt  }
0x59: {  	_ =	shalt  }
0x5a: {  	_ =	shalt  }
0x5b: {  	_ =	shalt  }
0x5c: {  	_ =	shalt  }
0x5d: {  	_ =	shalt  }
0x5e: {  	_ =	shalt  }
0x5f: {  	_ =	shalt  }
0x60: {  	_ =	shalt  }
0x61: {  	_ =	shalt  }
0x62: {  	_ =	shalt  }
0x63: {  	_ =	shalt  }
0x64: {  	_ =	shalt  }
0x65: {  	_ =	shalt  }
0x66: {  	_ =	shalt  }
0x67: {  	_ =	shalt  }
0x68: {  	_ =	shalt  }
0x69: {  	_ =	shalt  }
0x6a: {  	_ =	shalt  }
0x6b: {  	_ =	shalt  }
0x6c: {  	_ =	shalt  }
0x6d: {  	_ =	shalt  }
0x6e: {  	_ =	shalt  }
0x6f: {  	_ =	shalt  }
0x70: {  	_ =	shalt  }
0x71: {  	_ =	shalt  }
0x72: {  	_ =	shalt  }
0x73: {  	_ =	shalt  }
0x74: {  	_ =	shalt  }
0x75: {  	_ =	shalt  }
0x76: {  	_ =	shalt  }
0x77: {  	_ =	shalt  }
0x78: {  	_ =	shalt  }
0x79: {  	_ =	shalt  }
0x7a: {  	_ =	shalt  }
0x7b: {  	_ =	shalt  }
0x7c: {  	_ =	shalt  }
0x7d: {  	_ =	shalt  }
0x7e: {  	_ =	shalt  }
0x7f: {  	_ =	shalt  }
0x80: {  	_ =	shalt  }
0x81: {  	_ =	shalt  }
0x82: {  	_ =	shalt  }
0x83: {  	_ =	shalt  }
0x84: {  	_ =	shalt  }
0x85: {  	_ =	shalt  }
0x86: {  	_ =	shalt  }
0x87: {  	_ =	shalt  }
.Lfunc_end0:
.L_simem_size_0:
called_computation_lowered:
.L_overlay_start_0:
0x88: {  	s2 =	sld [smem:$0x3FD9]  }
0x89: {  	s3 =	sld [smem:$0x3FFE];
	_ =	sdelay $0x1  }
0x8a: {  	s1 =	srdreg.scid  }
0x8b: {  	s0 =	sand.u32 $0x1, s1  }
0x8c: {  	s17 =	sshll.u32 s0, $0xA;
	s2 =	sadd.s32 s3, s2  }
0x8d: {  	s2 =	sadd.s32 s2, s17  }
0x8e: {  	[smem:$0x3FC0] =	sst s2  }
0x8f: {  	_ = 	snop  }
0x90: {  	s2 =	sld [smem:$0x3FC9]  }
0x91: {  	s18 =	sld [smem:$0x3FD0];
	(tm) =	ssettm $0x1  }
0x92: {  	s4 =	sld [smem:$0x3FFB];
	_ =	sdelay $0x3  }
0x93: {  	_ =	strace s4  }
0x94: {  	s4 =	sld [smem:$0x3FFC];
	_ =	sdelay $0x3  }
0x95: {  	_ =	strace s4  }
0x96: {  	s4 =	sld [smem:$0x3FFD];
	_ =	sdelay $0x3  }
0x97: {  	_ =	strace s4  }
0x98: {  	_ =	strace $0x8FFFFFFF  }
0x99: {  	s19 =	sld [smem:$0x3FDB];
	_ =	sdelay $0x1  }
0x9a: {  	s5 =	simm.s32 $_scs_section_size  }
0x9b: {  	s6 =	simm.s32 $_size__tile_overlayer_lowered;
	s7 =	simm.s32 $_tile_overlayer_lowered  }
0x9c: {  	s22 =	simm.s32 $0x1BFF;
	s21 =	sshll.u32 s7, $0x1;
	s4 =	sadd.s32 s5, s19  }
0x9d: {  	s8 =	simm.s32 $0x0;
	s20 =	sshll.u32 s6, $0x1;
	s6 =	sadd.s32 s21, s4  }
0x9e: {  	[timem:s8], [sflag:s22] =	dma.local [hbm:s6], s20  }
0x9f: {  	_ =	swait.ge [sflag:s22], s20  }
0xa0: {  	s5 =	ssub.s32 $0x0, s20;
	[sflag:s22] =	ssyncset.done $0x0  }
0xa1: {  	[sflag:s22] =	ssyncadd.s32 s5;
	_ =	sdelay $0x1  }
0xa2: {  	s23 =	simm.s32 $0x1B8B  }
0xa3: {  	_ =	swait.ge [sflag:s23], $0x1  }
0xa4: {  	[sflag:s23] =	ssyncset.done $0x0  }
0xa5: {  	s25 =	simm.s32 $0x1B8E;
	s24 =	sld [smem:$0x3FFE];
	[sflag:s23] =	ssyncadd.s32 $0xFFFFFFFF  }
0xa6: {  	s26 =	simm.s32 $execute0_lowered;
	[smem:$0x3FD2] =	sst s25  }
0xa7: {  	s6 =	sshll.u32 s26, $0x1;
	_ =	strace $0x80000046;
	[dreg:$0x1] =	wrdreg $0xFFFFFFFF  }
0xa8: {  	s28 =	simm.s32 $_size_execute0_lowered;
	s4 =	sadd.s32 s4, s6;
	[dreg:$0x0] =	wrdreg $0x0  }
0xa9: {  	s6 =	sshll.u32 s28, $0x1;
	[dreg:$0x2] =	wrdreg s4  }
0xaa: {  	[dreg:$0x3] =	wrdreg s6  }
0xab: {  	[dreg:$0x4] =	wrdreg $0xC0  }
0xac: {  	_ =	task [dreg:s8], $0x5FFFF  }
0xad: {  	[dreg:$0x1] =	wrdreg $0xFFFFFFFF  }
0xae: {  	[dreg:$0x0] =	wrdreg $0x60  }
0xaf: {  	[dreg:$0x2] =	wrdreg s2  }
0xb0: {  	[dreg:$0x3] =	wrdreg s24  }
0xb1: {  	[dreg:$0x4] =	wrdreg s18  }
0xb2: {  	[dreg:$0x5] =	wrdreg $0x52000  }
0xb3: {  	[dreg:$0x6] =	wrdreg $0x9  }
0xb4: {  	_ =	task.clear_ibuf [dreg:s8], $0x7FFFF;
	_ =	strace $0x90000046  }
0xb5: {  	s29 =	simm.s32 $0x9;
	_ =	strace $0x80000048  }
0xb6: {  	_ =	swait.ge [sflag:s29], $0x1  }
0xb7: {  	[sflag:s29] =	ssyncadd.s32 $0xFFFFFFFF  }
0xb8: {  	_ =	strace $0x90000048  }
0xb9: {  	_ =	sfence  }
0xba: {  	s30 =	sld [smem:$0x0];
	_ =	sdelay $0x2  }
0xbb: {  	s31 =	sshll.u32 s1, $0xD;
	s1 =	sshrl.u32 s1, $0x2  }
0xbc: {  	s3 =	sand.u32 $0x4000, s31;
	s1 =	sadd.s32 s1, s30  }
0xbd: {  	s0 =	sor.u32 s3, s0;
	s1 =	sshll.u32 s1, $0x11  }
0xbe: {  	s0 =	sor.u32 s1, s0  }
0xbf: {  	s0 =	sadd.s32 $0x8F2B, s0  }
0xc0: {  	[sflag:s0] =	ssyncadd.remote.s32 $0x1  }
0xc1: {  	_ =	sfence.sel $0xFFFF  }
0xc2: {  	[dreg:$0x0] =	wrdreg $0xFFFFFFFF;
	(pc) =	sbr.abs _section_cstart, $3  }
0xc3: {  	[dreg:$0x1] =	wrdreg $0xFFFFFFFF  }
0xc4: {  	_ =	task.clear_ibuf [dreg:s8], $0x2FFFF;
	_ =	strace $0x9FFFFFFF  }
0xc5: {  	(tm) =	ssettm $0x7FFFFFFF  }
tec
execute0_lowered:
.L_overlay_start_1:
0x0: {  	(tag) =	ssettag $0x1  }
0x1: {  	s1 =	rddreg [dreg:$0x0]  }
0x2: {  	s0 =	rddreg [dreg:$0x1]  }
0x3: {  	s3 =	rddreg [dreg:$0x2]  }
0x4: {  	s2 =	rddreg [dreg:$0x3]  }
0x5: {  	s4 =	srdreg.scid;
	s12 =	stileid.u32  }
0x6: {  	s28 =	simm.s32 $0x80;
	s29 =	simm.s32 $0x5;
	s7 =	smul.u32 $0x14000, s12  }
0x7: {  	s8 =	sand.u32 $0x1, s4;
	s9 =	smul.u32 $0x50000, s12;
	s11 =	sshll.u32 s12, $0x1  }
0x8: {  	s4 =	simm.s32 $0x0;
	s6 =	smul.u32 $0x140000, s8;
	s15 =	sor.u32 s8, s11  }
0x9: {  	s30 =	simm.s32 $0x50;
	[smem:$0x7FF] =	sst s4;
	s20 =	smul.u32 $0x2710, s15  }
0xa: {  	s5 =	sadd.s32 $0xBE00, s0;
	_ =	strace $0x80000047;
	s7 =	sadd.s32 s7, s6  }
0xb: {  	s9 =	sshrl.u32 s9, $0x2;
	s7 =	sshrl.u32 s7, $0x3;
	s11 =	sshrl.u32 s20, $0x3  }
0xc: {  	s6 =	sadd.s32 $0x2000, s0;
	s0 =	sadd.s32 s7, s0;
	s23 =	sadd.s32 s5, s11  }
0xd: {  	s7 =	sadd.s32 s9, s2;
	s24 =	sadd.s32 s6, s11;
	[dreg:$0xc] =	wrdreg s23  }
0xe: {  	s31 =	simm.s32 $0x100;
	s16 =	sadd.s32 $0x2800, s7;
	[dreg:$0xd] =	wrdreg s24  }
0xf: {  	s12 =	smul.u32 $0x4E20, s12;
	s17 =	sadd.s32 $0x5000, s7;
	[dreg:$0x5] =	wrdreg s16  }
0x10: {  	s10 =	ssub.s32 $0x2, s8;
	s18 =	sadd.s32 $0x7800, s7;
	[dreg:$0x6] =	wrdreg s17  }
0x11: {  	s8 =	smul.u32 $0x2710, s8;
	s19 =	sadd.s32 $0xA000, s7;
	[dreg:$0x7] =	wrdreg s18  }
0x12: {  	s14 =	sshrl.u32 s10, $0x1;
	s13 =	sadd.s32 $0xC800, s7;
	[dreg:$0x8] =	wrdreg s19  }
0x13: {  	s10 =	ssub.s32 s10, s14;
	s21 =	sadd.s32 $0xF000, s7;
	[dreg:$0x9] =	wrdreg s13  }
0x14: {  	s11 =	sadd.s32 $0xA, s11;
	s22 =	sadd.s32 $0x11800, s7;
	[dreg:$0xa] =	wrdreg s21  }
0x15: {  	s8 =	sadd.s32 s8, s12;
	s25 =	sadd.s32 s5, s11;
	[dreg:$0xb] =	wrdreg s22  }
0x16: {  	s12 =	simm.s32 $0x2;
	s11 =	sadd.s32 s6, s11;
	[dreg:$0xe] =	wrdreg s25  }
0x17: {  	s9 =	smul.u32 $0x500, s15;
	s0 =	sadd.s32 $0x15C00, s0;
	[dreg:$0xf] =	wrdreg s11  }
0x18: {  	s14 =	simm.s32 $0x0;
	s26 =	sadd.s32 $0xF0, s8;
	[dreg:$0x10] =	wrdreg s0  }
0x19: {  	s20 =	sadd.s32 s3, s9;
	s21 =	smax.u32 s10, $0x1;
	s0 =	sshrl.u32 s26, $0x3  }
0x1a: {  	s16 =	sadd.s32 $0xA0, s8;
	s25 =	simm.s32 $0x200;
	s26 =	simm.s32 $0x7  }
0x1b: {  	s3 =	simm.s32 $0x6;
	s8 =	simm.s32 $0x2A00;
	s9 =	simm.s32 $0x1  }
0x1c: {  	s10 =	simm.s32 $0x19200;
	s11 =	simm.s32 $0x3;
	s13 =	simm.s32 $0x4  }
0x1d: {  	v0 =	vimm.f32 $0.0e+00;
	v1 =	vimm.f32 $1.000000000e+00;
	s22 =	sadd.s32 s0, s6;
	s23 =	sadd.s32 s0, s5;
	s0 =	simm.s32 $0x180  }
.LBB2_1:
0x1e: {  	s15 =	simm.s32 $0x0;
	s24 =	simm.s32 $0x200  }
.LBB2_2:
0x1f: {  	p0 =	sne.s32 s24, $0x9E00;
	[tilespmem:s15+$0x270] =	vst v0  }
0x20: {  	[tilespmem:s15+$0x200] =	vst v0  }
0x21: {  	[tilespmem:s15+$0x210] =	vst v0  }
.Ltmp0:
0x22: {  	[tilespmem:s15+$0x220] =	vst v0;
	(pc) =	sbr.rel @p0 .LBB2_2-.Ltmp0, $4  }
0x23: {  	[tilespmem:s15+$0x230] =	vst v0  }
0x24: {  	[tilespmem:s15+$0x240] =	vst v0  }
0x25: {  	[tilespmem:s15+$0x250] =	vst v0  }
0x26: {  	[tilespmem:s15+$0x260] =	vst v0;
	s15 =	sshra.s32 s24, $0x2;
	s24 =	sadd.s32 $0x200, s24  }
0x27: {  	[tilespmem:s15+$0x270] =	vst v0  }
0x28: {  	[tilespmem:s15+$0x200] =	vst v0  }
0x29: {  	[tilespmem:s15+$0x210] =	vst v0  }
0x2a: {  	[tilespmem:s15+$0x220] =	vst v0  }
0x2b: {  	[tilespmem:s15+$0x230] =	vst v0  }
0x2c: {  	[tilespmem:s15+$0x240] =	vst v0  }
0x2d: {  	[tilespmem:s15+$0x250] =	vst v0  }
0x2e: {  	[tilespmem:s15+$0x260] =	vst v0  }
0x2f: {  	[spmem:s7] =	stream.linear.scatter [tilespmem:s25], [sflag:$0x7], $0x2800, $0x38;
	[tilespmem:$0x1BA00] =	vst v63  }
0x30: {  	_ =	swait.ge [sflag:s26], $0x2800  }
0x31: {  	[sflag:s26] =	ssyncset.done $0x0  }
0x32: {  	s18 =	rddreg [dreg:$0x5];
	[sflag:s26] =	ssyncadd.s32 $0xFFFFD800  }
0x33: {  	[spmem:s18] =	stream.linear.scatter [tilespmem:s25], [sflag:$0x7], $0x2800, $0x38;
	[tilespmem:$0x1BA00] =	vst v63  }
0x34: {  	_ =	swait.ge [sflag:s26], $0x2800  }
0x35: {  	[sflag:s26] =	ssyncset.done $0x0  }
0x36: {  	s19 =	rddreg [dreg:$0x6];
	[sflag:s26] =	ssyncadd.s32 $0xFFFFD800  }
0x37: {  	[spmem:s19] =	stream.linear.scatter [tilespmem:s25], [sflag:$0x7], $0x2800, $0x38;
	[tilespmem:$0x1BA00] =	vst v63  }
0x38: {  	_ =	swait.ge [sflag:s26], $0x2800  }
0x39: {  	[sflag:s26] =	ssyncset.done $0x0  }
0x3a: {  	s24 =	rddreg [dreg:$0x7];
	[sflag:s26] =	ssyncadd.s32 $0xFFFFD800  }
0x3b: {  	[spmem:s24] =	stream.linear.scatter [tilespmem:s25], [sflag:$0x7], $0x2800, $0x38;
	[tilespmem:$0x1BA00] =	vst v63  }
0x3c: {  	_ =	swait.ge [sflag:s26], $0x2800  }
0x3d: {  	[sflag:s26] =	ssyncset.done $0x0  }
0x3e: {  	s17 =	rddreg [dreg:$0x8];
	[sflag:s26] =	ssyncadd.s32 $0xFFFFD800  }
0x3f: {  	[spmem:s17] =	stream.linear.scatter [tilespmem:s25], [sflag:$0x7], $0x2800, $0x38;
	[tilespmem:$0x1BA00] =	vst v63  }
0x40: {  	_ =	swait.ge [sflag:s26], $0x2800  }
0x41: {  	[sflag:s26] =	ssyncset.done $0x0  }
0x42: {  	s18 =	rddreg [dreg:$0x9];
	[sflag:s26] =	ssyncadd.s32 $0xFFFFD800  }
0x43: {  	[spmem:s18] =	stream.linear.scatter [tilespmem:s25], [sflag:$0x7], $0x2800, $0x38;
	[tilespmem:$0x1BA00] =	vst v63  }
0x44: {  	_ =	swait.ge [sflag:s26], $0x2800  }
0x45: {  	[sflag:s26] =	ssyncset.done $0x0  }
0x46: {  	s19 =	rddreg [dreg:$0xa];
	[sflag:s26] =	ssyncadd.s32 $0xFFFFD800  }
0x47: {  	[spmem:s19] =	stream.linear.scatter [tilespmem:s25], [sflag:$0x7], $0x2800, $0x38;
	[tilespmem:$0x1BA00] =	vst v63  }
0x48: {  	_ =	swait.ge [sflag:s26], $0x2800  }
0x49: {  	[sflag:s26] =	ssyncset.done $0x0  }
0x4a: {  	s24 =	rddreg [dreg:$0xb];
	[sflag:s26] =	ssyncadd.s32 $0xFFFFD800  }
0x4b: {  	[spmem:s24] =	stream.linear.scatter [tilespmem:s25], [sflag:$0x7], $0x2800, $0x38;
	[tilespmem:$0x1BA00] =	vst v63  }
0x4c: {  	_ =	swait.ge [sflag:s26], $0x2800  }
0x4d: {  	[sflag:s26] =	ssyncset.done $0x0  }
0x4e: {  	s15 =	simm.s32 $0x40;
	s24 =	simm.s32 $0x0;
	[sflag:s26] =	ssyncadd.s32 $0xFFFFD800  }
.LBB2_4:
0x4f: {  	p0 =	sne.s32 s15, $0x9FC0;
	[tilespmem:s24+$0x19200] =	vst v0;
	s24 =	smov.u32 s15;
	s15 =	sadd.s32 $0x40, s15  }
.Ltmp1:
0x50: {  	(pc) =	sbr.rel @p0 .LBB2_4-.Ltmp1, $2  }
0x51: {  	_ =	sdelay $0x2  }
0x52: {  	s24 =	sshra.s32 s24, $0x2  }
0x53: {  	[tilespmem:s24+$0x19200] =	vst v0  }
0x54: {  	[bflag:$0x0] =	sbarrier.arrive $0xFFFF  }
0x55: {  	s15 =	simm.s32 $0x0;
	s17 =	rddreg [dreg:$0xc]  }
0x56: {  	[tilespmem:s15], [sflag:$0x5] =	stream.linear.gather [hbm4b:s17+s15], $0x50, $0x38;
	[tilespmem:$0x1BA00] =	vst v63  }
0x57: {  	s18 =	rddreg [dreg:$0xd]  }
0x58: {  	[tilespmem:s28], [sflag:$0x5] =	stream.linear.gather [hbm4b:s18+s15], $0x50, $0x38;
	[tilespmem:$0x1BA00] =	vst v63  }
0x59: {  	_ =	swait.ge [sflag:s29], $0x50  }
0x5a: {  	[sflag:s29] =	ssyncset.done $0x0  }
0x5b: {  	[sflag:s29] =	ssyncadd.s32 $0xFFFFFFB0  }
0x5c: {  	_ =	swait.ge [sflag:s29], $0x50  }
0x5d: {  	[sflag:s29] =	ssyncset.done $0x0  }
0x5e: {  	[sflag:s29] =	ssyncadd.s32 $0xFFFFFFB0  }
0x5f: {  	[tilespmem:s25], [sflag:$0x1] =	stream.indirect.gather [hbm4b:s1+s30], $0x80, s15, s30, $0xb8;
	[tilespmem:$0x1BA00] =	vst v63  }
0x60: {  	s19 =	rddreg [dreg:$0xe]  }
0x61: {  	[tilespmem:s31], [sflag:$0x6] =	stream.linear.gather [hbm4b:s19+s15], $0x50, $0x38;
	[tilespmem:$0x1BA00] =	vst v63  }
0x62: {  	s24 =	rddreg [dreg:$0xf]  }
0x63: {  	[tilespmem:s0], [sflag:$0x6] =	stream.linear.gather [hbm4b:s24+s15], $0x50, $0x38;
	[tilespmem:$0x1BA00] =	vst v63  }
0x64: {  	s24 =	smov.u32 s16  }
.LBB2_6:
0x65: {  	_ =	swait.ge [sflag:s3], $0x50  }
0x66: {  	[sflag:s3] =	ssyncset.done $0x0  }
0x67: {  	[sflag:s3] =	ssyncadd.s32 $0xFFFFFFB0  }
0x68: {  	_ =	swait.ge [sflag:s3], $0x50  }
0x69: {  	[sflag:s3] =	ssyncset.done $0x0  }
0x6a: {  	[sflag:s3] =	ssyncadd.s32 $0xFFFFFFB0  }
0x6b: {  	[tilespmem:s8], [sflag:$0x2] =	stream.indirect.gather [hbm4b:s1+s30], $0x80, s31, s30, $0xb8;
	[tilespmem:$0x1BA00] =	vst v63  }
0x6c: {  	_ =	swait.ge [sflag:s9], $0x2800  }
0x6d: {  	[sflag:s9] =	ssyncset.done $0x0  }
0x6e: {  	[sflag:s9] =	ssyncadd.s32 $0xFFFFD800  }
0x6f: {  	[spmem:s2] =	stream.indirect.scatter.add.f32 [tilespmem:s25], [sflag:$0x3], $0x80, s28, s30, $0xb8;
	[tilespmem:$0x1BA00] =	vst v63  }
0x70: {  	v2 =	vld [tilespmem:$0x80];
	_ =	sdelay $0x7  }
0x71: {  	[tilespmem:v2+s10+$0x0] =	vst.idx.add.f32.msk $0xffff, v1  }
0x72: {  	v2 =	vld [tilespmem:$0x90];
	_ =	sdelay $0x7  }
0x73: {  	[tilespmem:v2+s10+$0x0] =	vst.idx.add.f32.msk $0xffff, v1  }
0x74: {  	v2 =	vld [tilespmem:$0xA0];
	_ =	sdelay $0x7  }
0x75: {  	[tilespmem:v2+s10+$0x0] =	vst.idx.add.f32.msk $0xffff, v1  }
0x76: {  	v2 =	vld [tilespmem:$0xB0];
	_ =	sdelay $0x7  }
0x77: {  	[tilespmem:v2+s10+$0x0] =	vst.idx.add.f32.msk $0xffff, v1  }
0x78: {  	v2 =	vld [tilespmem:$0xC0];
	_ =	sdelay $0x7  }
0x79: {  	[tilespmem:v2+s10+$0x0] =	vst.idx.add.f32.msk $0xffff, v1  }
0x7a: {  	_ =	swait.ge [sflag:s11], $0x2800  }
0x7b: {  	s17 =	sshrl.u32 s24, $0x3;
	[sflag:s11] =	ssyncset.done $0x0  }
0x7c: {  	s18 =	sadd.s32 s5, s17;
	[sflag:s11] =	ssyncadd.s32 $0xFFFFD800  }
0x7d: {  	[tilespmem:s4], [sflag:$0x5] =	stream.linear.gather [hbm4b:s18+s4], $0x50, $0x38;
	[tilespmem:$0x1BA00] =	vst v63  }
0x7e: {  	s17 =	sadd.s32 s6, s17  }
0x7f: {  	[tilespmem:s28], [sflag:$0x5] =	stream.linear.gather [hbm4b:s17+s4], $0x50, $0x38;
	[tilespmem:$0x1BA00] =	vst v63  }
0x80: {  	_ =	swait.ge [sflag:s12], $0x2800  }
0x81: {  	[sflag:s12] =	ssyncset.done $0x0  }
0x82: {  	[sflag:s12] =	ssyncadd.s32 $0xFFFFD800  }
0x83: {  	[spmem:s2] =	stream.indirect.scatter.add.f32 [tilespmem:s8], [sflag:$0x4], $0x80, s0, s30, $0xb8;
	[tilespmem:$0x1BA00] =	vst v63  }
0x84: {  	v2 =	vld [tilespmem:$0x180];
	_ =	sdelay $0x7  }
0x85: {  	[tilespmem:v2+s10+$0x0] =	vst.idx.add.f32.msk $0xffff, v1  }
0x86: {  	v2 =	vld [tilespmem:$0x190];
	_ =	sdelay $0x7  }
0x87: {  	[tilespmem:v2+s10+$0x0] =	vst.idx.add.f32.msk $0xffff, v1  }
0x88: {  	v2 =	vld [tilespmem:$0x1A0];
	_ =	sdelay $0x7  }
0x89: {  	[tilespmem:v2+s10+$0x0] =	vst.idx.add.f32.msk $0xffff, v1  }
0x8a: {  	v2 =	vld [tilespmem:$0x1B0];
	_ =	sdelay $0x7  }
0x8b: {  	[tilespmem:v2+s10+$0x0] =	vst.idx.add.f32.msk $0xffff, v1  }
0x8c: {  	v2 =	vld [tilespmem:$0x1C0];
	_ =	sdelay $0x7  }
0x8d: {  	[tilespmem:v2+s10+$0x0] =	vst.idx.add.f32.msk $0xffff, v1  }
0x8e: {  	_ =	swait.ge [sflag:s29], $0x50  }
0x8f: {  	[sflag:s29] =	ssyncset.done $0x0  }
0x90: {  	[sflag:s29] =	ssyncadd.s32 $0xFFFFFFB0  }
0x91: {  	_ =	swait.ge [sflag:s29], $0x50  }
0x92: {  	[sflag:s29] =	ssyncset.done $0x0  }
0x93: {  	[sflag:s29] =	ssyncadd.s32 $0xFFFFFFB0  }
0x94: {  	[tilespmem:s25], [sflag:$0x1] =	stream.indirect.gather [hbm4b:s1+s30], $0x80, s4, s30, $0xb8;
	[tilespmem:$0x1BA00] =	vst v63  }
0x95: {  	p0 =	seq.s32 s15, $0x4C4;
	_ =	swait.ge [sflag:s13], $0x2800  }
0x96: {  	s19 =	simm.s32 @!p0 $0x100;
	[sflag:s13] =	ssyncset.done $0x0  }
0x97: {  	s18 =	simm.s32 @!p0 $0x0;
	s17 =	sadd.s32 @!p0 s15, s23;
	[sflag:s13] =	ssyncadd.s32 $0xFFFFD800  }
0x98: {  	[tilespmem:s19], [sflag:$0x6] =	stream.linear.gather @!p0 [hbm4b:s17+s18], $0x50, $0x38;
	[tilespmem:$0x1BA00] =	vst v63  }
0x99: {  	s17 =	sadd.s32 @!p0 s15, s22;
	s15 =	sadd.s32 @!p0 $0x14, s15  }
0x9a: {  	p1 =	sne.s32 @!p0 s15, $0x4D8  }
0x9b: {  	p1 =	por p0, !p1  }
.Ltmp2:
0x9c: {  	_ = 	snop;
	(pc) =	sbr.rel @!p1 .LBB2_6-.Ltmp2, $3  }
0x9d: {  	_ =	sdelay $0x1  }
0x9e: {  	s24 =	sadd.s32 @!p0 $0xA0, s24;
	s19 =	simm.s32 @!p0 $0x180  }
0x9f: {  	[tilespmem:s19], [sflag:$0x6] =	stream.linear.gather @!p0 [hbm4b:s17+s18], $0x50, $0x38;
	[tilespmem:$0x1BA00] =	vst v63  }
0xa0: {  	_ =	swait.ge [sflag:s9], $0x2800  }
0xa1: {  	[sflag:s9] =	ssyncset.done $0x0  }
0xa2: {  	[sflag:s9] =	ssyncadd.s32 $0xFFFFD800  }
0xa3: {  	[spmem:s2] =	stream.indirect.scatter.add.f32 [tilespmem:s25], [sflag:$0x7], $0x80, s28, s30, $0xb8;
	[tilespmem:$0x1BA00] =	vst v63  }
0xa4: {  	_ =	swait.ge [sflag:s26], $0x2800  }
0xa5: {  	[sflag:s26] =	ssyncset.done $0x0  }
0xa6: {  	[sflag:s26] =	ssyncadd.s32 $0xFFFFD800  }
0xa7: {  	v2 =	vld [tilespmem:$0x80];
	_ =	sdelay $0x7  }
0xa8: {  	[tilespmem:v2+s10+$0x0] =	vst.idx.add.f32.msk $0xffff, v1  }
0xa9: {  	v2 =	vld [tilespmem:$0x90];
	_ =	sdelay $0x7  }
0xaa: {  	[tilespmem:v2+s10+$0x0] =	vst.idx.add.f32.msk $0xffff, v1  }
0xab: {  	v2 =	vld [tilespmem:$0xA0];
	_ =	sdelay $0x7  }
0xac: {  	[tilespmem:v2+s10+$0x0] =	vst.idx.add.f32.msk $0xffff, v1  }
0xad: {  	v2 =	vld [tilespmem:$0xB0];
	_ =	sdelay $0x7  }
0xae: {  	[tilespmem:v2+s10+$0x0] =	vst.idx.add.f32.msk $0xffff, v1  }
0xaf: {  	v2 =	vld [tilespmem:$0xC0];
	_ =	sdelay $0x7  }
0xb0: {  	s15 =	stileid.u32;
	[tilespmem:v2+s10+$0x0] =	vst.idx.add.f32.msk $0xffff, v1  }
0xb1: {  	s15 =	sshll.u32 s15, $0x6;
	[bflag:$0x0] =	sbarrier.arrive $0xFFFF  }
0xb2: {  	s17 =	sshrl.u32 s7, $0x3;
	s15 =	sor.u32 $0x1C07, s15;
	s18 =	rddreg [dreg:$0x10]  }
0xb3: {  	[hbm:s18], [sflag:s15] =	dma.local [spmem:s17], $0x2800  }
0xb4: {  	s14 =	sadd.s32 $0x1, s14;
	_ =	swait.ge [sflag:s26], $0x2800  }
0xb5: {  	p0 =	sne.s32 s14, s21;
	[sflag:s26] =	ssyncset.done $0x0  }
.Ltmp3:
0xb6: {  	[sflag:s26] =	ssyncadd.s32 $0xFFFFD800;
	(pc) =	sbr.rel @p0 .LBB2_1-.Ltmp3, $4  }
0xb7: {  	[hbm4b:s20+s4] =	stream.linear.scatter [tilespmem:s10], [sflag:$0x7], $0x2800, $0x38;
	[tilespmem:$0x1BA00] =	vst v63  }
0xb8: {  	_ =	swait.ge [sflag:s26], $0x2800  }
0xb9: {  	[sflag:s26] =	ssyncset.done $0x0  }
0xba: {  	[sflag:s26] =	ssyncadd.s32 $0xFFFFD800  }
0xbb: {  	_ =	sfence.sel $0x180000  }
0xbc: {  	[bflag:$0x0] =	sbarrier.arrive $0xFFFF  }
0xbd: {  	_ =	strace $0x90000047  }
0xbe: {  	s0 =	stileid.u32;
	[bflag:$0x2] =	sbarrier.arrive $0xFFFF  }
0xbf: {  	p0 =	sne.s32 s0, $0x0;
	s0 =	rddreg [dreg:$0x4]  }
0xc0: {  	s0 =	sadd.s32 @!p0 $0x100000, s0  }
0xc1: {  	[sflag:s0] =	ssyncadd.tile.s32 @!p0 $0x1;
	_ =	shalt  }
.Lfunc_end2:
_tile_overlayer_lowered:
.L_overlay_start_2:
0xc2: {  	(tag) =	ssettag $0x2  }
0xc3: {  	s0 =	rddreg [dreg:$0x0];
	s2 =	stileid.u32  }
0xc4: {  	s1 =	rddreg [dreg:$0x1];
	p0 =	sne.s32 s2, $0x0  }
0xc5: {  	s3 =	rddreg [dreg:$0x2];
	[bflag:$0x3] =	sbarrier.arrive $0xFFFF;
	s2 =	simm.s32 @!p0 $0x1C07  }
0xc6: {  	[timem:s3], [sflag:s2] =	dma.local @!p0 [hbm:s0], s1  }
0xc7: {  	s0 =	simm.s32 @!p0 $0x7  }
0xc8: {  	_ =	swait.ge @!p0 [sflag:s0], s1  }
0xc9: {  	s1 =	ssub.s32 @!p0 $0x0, s1;
	[sflag:s0] =	ssyncset.done @!p0 $0x0  }
0xca: {  	[sflag:s0] =	ssyncadd.s32 @!p0 s1  }
0xcb: {  	[bflag:$0x3] =	sbarrier.arrive $0xFFFF  }
0xcc: {  	_ =	shalt  }

// kernel: kernel.9.cloned.1.call-start
scs
__scs_entry_jumppad:
0x0: {  	(pc) =	sbr.rel $0x88, $3  }
0x1: {  	(tag) =	ssettag $0x0;
	lr =	simm.s32 $0x1  }
0x2: {  	[smem:$0x3F99] =	sst lr;
	_ =	strace $0xD0000000  }
0x3: {  	_ = 	snop  }
0x4: {  	_ = 	snop  }
0x5: {  	_ = 	snop  }
0x6: {  	_ = 	snop  }
0x7: {  	_ = 	snop  }
__scs_overlays_trampoline_lowered:
0x8: {  	[smem:$0x3FA8] =	sst s0  }
0x9: {  	[smem:$0x3FA9] =	sst s1  }
0xa: {  	[smem:$0x3FAA] =	sst s2  }
0xb: {  	[smem:$0x3FAB] =	sst s3  }
0xc: {  	[smem:$0x3FAC] =	sst s4  }
0xd: {  	[smem:$0x3FAD] =	sst s5  }
0xe: {  	[smem:$0x3FAE] =	sst s6  }
0xf: {  	[smem:$0x3FAF] =	sst s7  }
0x10: {  	[smem:$0x3FB0] =	sst s8  }
0x11: {  	[smem:$0x3FB1] =	sst s9;
	s0 =	simm.s32 @!p0 $0x0  }
0x12: {  	s1 =	sld [smem:$0x3F97];
	s0 =	simm.s32 @p0 $0x1  }
0x13: {  	[smem:$0x3FB2] =	sst s0;
	s0 =	simm.s32 @!p1 $0x0  }
0x14: {  	s2 =	sld [smem:$0x3F96];
	s0 =	simm.s32 @p1 $0x1  }
0x15: {  	[smem:$0x3FB3] =	sst s0;
	s0 =	simm.s32 @!p2 $0x0  }
0x16: {  	s3 =	sld [smem:$0x3FDB];
	s0 =	simm.s32 @p2 $0x1  }
0x17: {  	s4 =	simm.s32 $0x1BF5;
	[smem:$0x3FB5] =	sst s0  }
0x18: {  	s0 =	sld [smem:$0x3F98];
	_ =	swait.ge [sflag:s4], $0x0  }
0x19: {  	s7 =	sld [smem:$0x3F99]  }
0x1a: {  	s8 =	sadd.s32 $0xFFFFE003, lr  }
0x1b: {  	s9 =	sadd.s32 $0xFFFFFEF7, lr;
	s5 =	simm.s32 $0xFFFFFFFF;
	p2 =	slt.u32 s8, $0xFFFFF086  }
0x1c: {  	p1 =	slt.u32 s9, $0xF7A;
	s5 =	simm.s32 @!p2 $0x0  }
0x1d: {  	s5 =	simm.s32 @p1 $0x1;
	p0 =	seq.s32 s7, s2  }
0x1e: {  	s7 =	smul.u32 @!p0 $0xF7A, s2;
	p2 =	seq.s32 @!p0 s5, $0x0  }
0x1f: {  	s9 =	smul.u32 $0xF7A, s1;
	s8 =	simm.s32 @!p0 $0x1BF5;
	p2 =	por !p2, p0  }
0x20: {  	[sflag:s8] =	ssyncset.s32 @!p0 $0xFFFFF086;
	s6 =	sadd.s32 @!p0 s3, s7;
	s7 =	simm.s32 @!p0 $0x108  }
0x21: {  	s3 =	sadd.s32 s3, s9;
	s6 =	sadd.s32 @!p0 $0x88, s6;
	s7 =	simm.s32 @p2 $0x1082  }
0x22: {  	[simem:s7], [sflag:s8] =	dma.local @!p0 [hbm:s6], $0xF7A  }
0x23: {  	s9 =	sor.u32 $0xD0000000, s2;
	s6 =	simm.s32 $0x108;
	_ =	swait.ge @!p0 [sflag:s8], $0x0  }
0x24: {  	s3 =	sadd.s32 $0x88, s3;
	s6 =	simm.s32 @!p1 $0x1082;
	[sflag:s4] =	ssyncset.s32 $0xFFFFF086  }
0x25: {  	[simem:s6], [sflag:s4] =	dma.local [hbm:s3], $0xF7A  }
0x26: {  	[smem:$0x3F99] =	sst s1;
	(tag) =	ssettag s2;
	_ =	strace s9  }
0x27: {  	s1 =	sld [smem:$0x3FA9]  }
0x28: {  	s2 =	sld [smem:$0x3FAA]  }
0x29: {  	s4 =	sld [smem:$0x3FAC]  }
0x2a: {  	p0 =	seq.s32 s5, $0x0;
	s5 =	sld [smem:$0x3FAD]  }
0x2b: {  	s6 =	sld [smem:$0x3FAE]  }
0x2c: {  	s7 =	sld [smem:$0x3FAF]  }
0x2d: {  	s3 =	simm.s32 $0x108;
	s8 =	sld [smem:$0x3FB0]  }
0x2e: {  	s3 =	simm.s32 @!p0 $0x1082;
	s9 =	sld [smem:$0x3FB1]  }
0x2f: {  	lr =	sadd.s32 s0, s3;
	s0 =	sld [smem:$0x3FA8]  }
0x30: {  	s3 =	sld [smem:$0x3FAB]  }
0x31: {  	[smem:$0x3FB4] =	sst s10  }
0x32: {  	s10 =	sld [smem:$0x3FB2];
	_ =	sdelay $0x3  }
0x33: {  	p0 =	seq.s32 s10, $0x1;
	s10 =	sld [smem:$0x3FB4];
	_ =	sdelay $0x3  }
0x34: {  	[smem:$0x3FB4] =	sst s10  }
0x35: {  	s10 =	sld [smem:$0x3FB3];
	_ =	sdelay $0x3  }
0x36: {  	p1 =	seq.s32 s10, $0x1;
	s10 =	sld [smem:$0x3FB4];
	_ =	sdelay $0x3  }
0x37: {  	[smem:$0x3FB4] =	sst s10  }
0x38: {  	s10 =	sld [smem:$0x3FB5]  }
0x39: {  	_ = 	snop;
	(pc) =	sbr.ind lr, $3  }
0x3a: {  	_ = 	snop  }
0x3b: {  	_ = 	snop  }
0x3c: {  	p2 =	seq.s32 s10, $0x1;
	s10 =	sld [smem:$0x3FB4]  }
0x3d: {  	_ =	shalt  }
0x3e: {  	_ =	shalt  }
0x3f: {  	_ =	shalt  }
0x40: {  	_ =	shalt  }
0x41: {  	_ =	shalt  }
0x42: {  	_ =	shalt  }
0x43: {  	_ =	shalt  }
0x44: {  	_ =	shalt  }
0x45: {  	_ =	shalt  }
0x46: {  	_ =	shalt  }
0x47: {  	_ =	shalt  }
0x48: {  	_ =	shalt  }
0x49: {  	_ =	shalt  }
0x4a: {  	_ =	shalt  }
0x4b: {  	_ =	shalt  }
0x4c: {  	_ =	shalt  }
0x4d: {  	_ =	shalt  }
0x4e: {  	_ =	shalt  }
0x4f: {  	_ =	shalt  }
0x50: {  	_ =	shalt  }
0x51: {  	_ =	shalt  }
0x52: {  	_ =	shalt  }
0x53: {  	_ =	shalt  }
0x54: {  	_ =	shalt  }
0x55: {  	_ =	shalt  }
0x56: {  	_ =	shalt  }
0x57: {  	_ =	shalt  }
0x58: {  	_ =	shalt  }
0x59: {  	_ =	shalt  }
0x5a: {  	_ =	shalt  }
0x5b: {  	_ =	shalt  }
0x5c: {  	_ =	shalt  }
0x5d: {  	_ =	shalt  }
0x5e: {  	_ =	shalt  }
0x5f: {  	_ =	shalt  }
0x60: {  	_ =	shalt  }
0x61: {  	_ =	shalt  }
0x62: {  	_ =	shalt  }
0x63: {  	_ =	shalt  }
0x64: {  	_ =	shalt  }
0x65: {  	_ =	shalt  }
0x66: {  	_ =	shalt  }
0x67: {  	_ =	shalt  }
0x68: {  	_ =	shalt  }
0x69: {  	_ =	shalt  }
0x6a: {  	_ =	shalt  }
0x6b: {  	_ =	shalt  }
0x6c: {  	_ =	shalt  }
0x6d: {  	_ =	shalt  }
0x6e: {  	_ =	shalt  }
0x6f: {  	_ =	shalt  }
0x70: {  	_ =	shalt  }
0x71: {  	_ =	shalt  }
0x72: {  	_ =	shalt  }
0x73: {  	_ =	shalt  }
0x74: {  	_ =	shalt  }
0x75: {  	_ =	shalt  }
0x76: {  	_ =	shalt  }
0x77: {  	_ =	shalt  }
0x78: {  	_ =	shalt  }
0x79: {  	_ =	shalt  }
0x7a: {  	_ =	shalt  }
0x7b: {  	_ =	shalt  }
0x7c: {  	_ =	shalt  }
0x7d: {  	_ =	shalt  }
0x7e: {  	_ =	shalt  }
0x7f: {  	_ =	shalt  }
0x80: {  	_ =	shalt  }
0x81: {  	_ =	shalt  }
0x82: {  	_ =	shalt  }
0x83: {  	_ =	shalt  }
0x84: {  	_ =	shalt  }
0x85: {  	_ =	shalt  }
0x86: {  	_ =	shalt  }
0x87: {  	_ =	shalt  }
.Lfunc_end0:
.L_simem_size_0:
called_computation.1_lowered:
.L_overlay_start_0:
0x88: {  	s2 =	sld [smem:$0x3FD9]  }
0x89: {  	s3 =	sld [smem:$0x3FFE];
	_ =	sdelay $0x1  }
0x8a: {  	s1 =	srdreg.scid  }
0x8b: {  	s0 =	sand.u32 $0x1, s1  }
0x8c: {  	s16 =	sshll.u32 s0, $0xA;
	s2 =	sadd.s32 s3, s2  }
0x8d: {  	s2 =	sadd.s32 s2, s16  }
0x8e: {  	[smem:$0x3FC0] =	sst s2  }
0x8f: {  	_ = 	snop  }
0x90: {  	(tm) =	ssettm $0x1  }
0x91: {  	s17 =	sld [smem:$0x3FFB];
	_ =	sdelay $0x3  }
0x92: {  	_ =	strace s17  }
0x93: {  	s2 =	sld [smem:$0x3FFC];
	_ =	sdelay $0x3  }
0x94: {  	_ =	strace s2  }
0x95: {  	s2 =	sld [smem:$0x3FFD];
	_ =	sdelay $0x3  }
0x96: {  	_ =	strace s2  }
0x97: {  	_ =	strace $0x8FFFFFFF  }
0x98: {  	s18 =	sld [smem:$0x3FDB];
	_ =	sdelay $0x1  }
0x99: {  	s19 =	simm.s32 $_scs_section_size  }
0x9a: {  	s4 =	simm.s32 $_size__tile_overlayer_lowered;
	s5 =	simm.s32 $_tile_overlayer_lowered  }
0x9b: {  	s22 =	simm.s32 $0x1BFF;
	s21 =	sshll.u32 s5, $0x1;
	s2 =	sadd.s32 s19, s18  }
0x9c: {  	s6 =	simm.s32 $0x0;
	s20 =	sshll.u32 s4, $0x1;
	s4 =	sadd.s32 s21, s2  }
0x9d: {  	[timem:s6], [sflag:s22] =	dma.local [hbm:s4], s20  }
0x9e: {  	_ =	swait.ge [sflag:s22], s20  }
0x9f: {  	s3 =	ssub.s32 $0x0, s20;
	[sflag:s22] =	ssyncset.done $0x0  }
0xa0: {  	[sflag:s22] =	ssyncadd.s32 s3;
	_ =	sdelay $0x1  }
0xa1: {  	s23 =	simm.s32 $0x1B8B  }
0xa2: {  	_ =	swait.ge [sflag:s23], $0x1  }
0xa3: {  	[sflag:s23] =	ssyncset.done $0x0  }
0xa4: {  	s25 =	simm.s32 $0x1B8E;
	s24 =	sld [smem:$0x3FFE];
	[sflag:s23] =	ssyncadd.s32 $0xFFFFFFFF  }
0xa5: {  	s26 =	simm.s32 $execute0_lowered;
	[smem:$0x3FD2] =	sst s25  }
0xa6: {  	s4 =	sshll.u32 s26, $0x1;
	_ =	strace $0x80000049;
	[dreg:$0x1] =	wrdreg $0xFFFFFFFF  }
0xa7: {  	s28 =	simm.s32 $_size_execute0_lowered;
	s2 =	sadd.s32 s2, s4;
	[dreg:$0x0] =	wrdreg $0x0  }
0xa8: {  	s4 =	sshll.u32 s28, $0x1;
	[dreg:$0x2] =	wrdreg s2  }
0xa9: {  	[dreg:$0x3] =	wrdreg s4  }
0xaa: {  	[dreg:$0x4] =	wrdreg $0xC0  }
0xab: {  	_ =	task [dreg:s6], $0x5FFFF  }
0xac: {  	[dreg:$0x1] =	wrdreg $0xFFFFFFFF  }
0xad: {  	[dreg:$0x0] =	wrdreg $0x60  }
0xae: {  	[dreg:$0x2] =	wrdreg s24  }
0xaf: {  	[dreg:$0x3] =	wrdreg $0x52000  }
0xb0: {  	[dreg:$0x4] =	wrdreg $0x9  }
0xb1: {  	_ =	task.clear_ibuf [dreg:s6], $0x5FFFF;
	_ =	strace $0x90000049  }
0xb2: {  	s29 =	simm.s32 $0x9;
	_ =	strace $0x8000004B  }
0xb3: {  	_ =	swait.ge [sflag:s29], $0x1  }
0xb4: {  	[sflag:s29] =	ssyncadd.s32 $0xFFFFFFFF  }
0xb5: {  	_ =	strace $0x9000004B  }
0xb6: {  	_ =	sfence  }
0xb7: {  	s30 =	sld [smem:$0x0];
	_ =	sdelay $0x2  }
0xb8: {  	s31 =	sshll.u32 s1, $0xD;
	s1 =	sshrl.u32 s1, $0x2  }
0xb9: {  	s3 =	sand.u32 $0x4000, s31;
	s1 =	sadd.s32 s1, s30  }
0xba: {  	s0 =	sor.u32 s3, s0;
	s1 =	sshll.u32 s1, $0x11  }
0xbb: {  	s0 =	sor.u32 s1, s0  }
0xbc: {  	s0 =	sadd.s32 $0x8F2B, s0  }
0xbd: {  	[sflag:s0] =	ssyncadd.remote.s32 $0x1  }
0xbe: {  	_ =	sfence.sel $0xFFFF  }
0xbf: {  	[dreg:$0x0] =	wrdreg $0xFFFFFFFF;
	(pc) =	sbr.abs _section_cstart, $3  }
0xc0: {  	[dreg:$0x1] =	wrdreg $0xFFFFFFFF  }
0xc1: {  	_ =	task.clear_ibuf [dreg:s6], $0x2FFFF;
	_ =	strace $0x9FFFFFFF  }
0xc2: {  	(tm) =	ssettm $0x7FFFFFFF  }
0xc3: {  	_ =	shalt  }
tec
execute0_lowered:
.L_overlay_start_1:
0x0: {  	(tag) =	ssettag $0x1  }
0x1: {  	s0 =	rddreg [dreg:$0x0]  }
0x2: {  	s1 =	rddreg [dreg:$0x1]  }
0x3: {  	s2 =	srdreg.scid;
	s3 =	simm.s32 $0x0;
	s11 =	stileid.u32  }
0x4: {  	s28 =	simm.s32 $0x7;
	s29 =	simm.s32 $0x80;
	s30 =	simm.s32 $0x5  }
0x5: {  	s31 =	simm.s32 $0x50;
	s2 =	sand.u32 $0x1, s2;
	s7 =	smul.u32 $0x14000, s11  }
0x6: {  	[smem:$0x7FF] =	sst s3;
	s4 =	sadd.s32 $0x15C00, s0;
	s8 =	smul.u32 $0x50000, s11  }
0x7: {  	s5 =	sadd.s32 $0xBE00, s0;
	s10 =	sshll.u32 s11, $0x1;
	s6 =	smul.u32 $0x140000, s2  }
0x8: {  	s20 =	smul.u32 $0x4E20, s11;
	_ =	strace $0x8000004A;
	s9 =	ssub.s32 $0x2, s2  }
0x9: {  	s13 =	sor.u32 s2, s10;
	s2 =	smul.u32 $0x2710, s2;
	s7 =	sadd.s32 s7, s6  }
0xa: {  	s12 =	sshrl.u32 s9, $0x1;
	s8 =	sshrl.u32 s8, $0x2;
	s7 =	sshrl.u32 s7, $0x3  }
0xb: {  	s6 =	sadd.s32 $0x2000, s0;
	s0 =	sadd.s32 s7, s0;
	s7 =	sadd.s32 s8, s1  }
0xc: {  	s10 =	simm.s32 $0x1;
	s9 =	ssub.s32 s9, s12;
	s14 =	sadd.s32 $0x2800, s7  }
0xd: {  	s2 =	sadd.s32 s2, s20;
	s15 =	sadd.s32 $0x5000, s7;
	[dreg:$0x3] =	wrdreg s14  }
0xe: {  	s26 =	sadd.s32 $0xF0, s2;
	s16 =	sadd.s32 $0x7800, s7;
	[dreg:$0x4] =	wrdreg s15  }
0xf: {  	s20 =	smax.u32 s9, $0x1;
	s17 =	sadd.s32 $0xA000, s7;
	[dreg:$0x5] =	wrdreg s16  }
0x10: {  	s9 =	simm.s32 $0x2A00;
	s18 =	sadd.s32 $0xC800, s7;
	[dreg:$0x6] =	wrdreg s17  }
0x11: {  	s8 =	smul.u32 $0x2710, s13;
	s19 =	sadd.s32 $0xF000, s7;
	[dreg:$0x7] =	wrdreg s18  }
0x12: {  	s13 =	simm.s32 $0x4;
	s21 =	sadd.s32 $0x11800, s7;
	[dreg:$0x8] =	wrdreg s19  }
0x13: {  	s0 =	sadd.s32 $0x3DC00, s0;
	[dreg:$0x9] =	wrdreg s21;
	s8 =	sshrl.u32 s8, $0x3  }
0x14: {  	[dreg:$0xe] =	wrdreg s0;
	s0 =	simm.s32 $0x100;
	s14 =	simm.s32 $0x0  }
0x15: {  	s22 =	sadd.s32 s5, s8;
	s23 =	sadd.s32 s6, s8;
	s24 =	sadd.s32 $0xA, s8  }
0x16: {  	s25 =	sadd.s32 $0x4D8, s8;
	s8 =	sshrl.u32 s26, $0x3;
	[dreg:$0xa] =	wrdreg s22  }
0x17: {  	s26 =	simm.s32 $0x200;
	[dreg:$0xb] =	wrdreg s23;
	s12 =	sadd.s32 s5, s24  }
0x18: {  	s11 =	sadd.s32 s6, s24;
	s21 =	sadd.s32 s5, s25;
	s22 =	sadd.s32 s6, s25  }
0x19: {  	s23 =	sadd.s32 s8, s6;
	s24 =	sadd.s32 s8, s5;
	s25 =	sadd.s32 $0xA0, s2  }
0x1a: {  	s2 =	simm.s32 $0x180;
	s8 =	simm.s32 $0x6;
	[dreg:$0xc] =	wrdreg s12  }
0x1b: {  	v0 =	vimm.f32 $0.0e+00;
	[dreg:$0xd] =	wrdreg s11;
	s11 =	simm.s32 $0x3;
	s12 =	simm.s32 $0x2  }
.LBB2_1:
0x1c: {  	s15 =	simm.s32 $0x0;
	s16 =	simm.s32 $0x200  }
.LBB2_2:
0x1d: {  	p0 =	sne.s32 s16, $0x9E00;
	[tilespmem:s15+$0x270] =	vst v0  }
0x1e: {  	[tilespmem:s15+$0x200] =	vst v0  }
0x1f: {  	[tilespmem:s15+$0x210] =	vst v0  }
.Ltmp0:
0x20: {  	[tilespmem:s15+$0x220] =	vst v0;
	(pc) =	sbr.rel @p0 .LBB2_2-.Ltmp0, $4  }
0x21: {  	[tilespmem:s15+$0x230] =	vst v0  }
0x22: {  	[tilespmem:s15+$0x240] =	vst v0  }
0x23: {  	[tilespmem:s15+$0x250] =	vst v0  }
0x24: {  	[tilespmem:s15+$0x260] =	vst v0;
	s15 =	sshra.s32 s16, $0x2;
	s16 =	sadd.s32 $0x200, s16  }
0x25: {  	[tilespmem:s15+$0x270] =	vst v0  }
0x26: {  	[tilespmem:s15+$0x200] =	vst v0  }
0x27: {  	[tilespmem:s15+$0x210] =	vst v0  }
0x28: {  	[tilespmem:s15+$0x220] =	vst v0  }
0x29: {  	[tilespmem:s15+$0x230] =	vst v0  }
0x2a: {  	[tilespmem:s15+$0x240] =	vst v0  }
0x2b: {  	[tilespmem:s15+$0x250] =	vst v0  }
0x2c: {  	[tilespmem:s15+$0x260] =	vst v0  }
0x2d: {  	[spmem:s7] =	stream.linear.scatter [tilespmem:s26], [sflag:$0x7], $0x2800, $0x38;
	[tilespmem:$0x19200] =	vst v63  }
0x2e: {  	_ =	swait.ge [sflag:s28], $0x2800  }
0x2f: {  	[sflag:s28] =	ssyncset.done $0x0  }
0x30: {  	s18 =	rddreg [dreg:$0x3];
	[sflag:s28] =	ssyncadd.s32 $0xFFFFD800  }
0x31: {  	[spmem:s18] =	stream.linear.scatter [tilespmem:s26], [sflag:$0x7], $0x2800, $0x38;
	[tilespmem:$0x19200] =	vst v63  }
0x32: {  	_ =	swait.ge [sflag:s28], $0x2800  }
0x33: {  	[sflag:s28] =	ssyncset.done $0x0  }
0x34: {  	s19 =	rddreg [dreg:$0x4];
	[sflag:s28] =	ssyncadd.s32 $0xFFFFD800  }
0x35: {  	[spmem:s19] =	stream.linear.scatter [tilespmem:s26], [sflag:$0x7], $0x2800, $0x38;
	[tilespmem:$0x19200] =	vst v63  }
0x36: {  	_ =	swait.ge [sflag:s28], $0x2800  }
0x37: {  	[sflag:s28] =	ssyncset.done $0x0  }
0x38: {  	s16 =	rddreg [dreg:$0x5];
	[sflag:s28] =	ssyncadd.s32 $0xFFFFD800  }
0x39: {  	[spmem:s16] =	stream.linear.scatter [tilespmem:s26], [sflag:$0x7], $0x2800, $0x38;
	[tilespmem:$0x19200] =	vst v63  }
0x3a: {  	_ =	swait.ge [sflag:s28], $0x2800  }
0x3b: {  	[sflag:s28] =	ssyncset.done $0x0  }
0x3c: {  	s17 =	rddreg [dreg:$0x6];
	[sflag:s28] =	ssyncadd.s32 $0xFFFFD800  }
0x3d: {  	[spmem:s17] =	stream.linear.scatter [tilespmem:s26], [sflag:$0x7], $0x2800, $0x38;
	[tilespmem:$0x19200] =	vst v63  }
0x3e: {  	_ =	swait.ge [sflag:s28], $0x2800  }
0x3f: {  	[sflag:s28] =	ssyncset.done $0x0  }
0x40: {  	s18 =	rddreg [dreg:$0x7];
	[sflag:s28] =	ssyncadd.s32 $0xFFFFD800  }
0x41: {  	[spmem:s18] =	stream.linear.scatter [tilespmem:s26], [sflag:$0x7], $0x2800, $0x38;
	[tilespmem:$0x19200] =	vst v63  }
0x42: {  	_ =	swait.ge [sflag:s28], $0x2800  }
0x43: {  	[sflag:s28] =	ssyncset.done $0x0  }
0x44: {  	s19 =	rddreg [dreg:$0x8];
	[sflag:s28] =	ssyncadd.s32 $0xFFFFD800  }
0x45: {  	[spmem:s19] =	stream.linear.scatter [tilespmem:s26], [sflag:$0x7], $0x2800, $0x38;
	[tilespmem:$0x19200] =	vst v63  }
0x46: {  	_ =	swait.ge [sflag:s28], $0x2800  }
0x47: {  	[sflag:s28] =	ssyncset.done $0x0  }
0x48: {  	s16 =	rddreg [dreg:$0x9];
	[sflag:s28] =	ssyncadd.s32 $0xFFFFD800  }
0x49: {  	[spmem:s16] =	stream.linear.scatter [tilespmem:s26], [sflag:$0x7], $0x2800, $0x38;
	[tilespmem:$0x19200] =	vst v63  }
0x4a: {  	_ =	swait.ge [sflag:s28], $0x2800  }
0x4b: {  	[sflag:s28] =	ssyncset.done $0x0  }
0x4c: {  	[sflag:s28] =	ssyncadd.s32 $0xFFFFD800  }
0x4d: {  	[bflag:$0x0] =	sbarrier.arrive $0xFFFF  }
0x4e: {  	s15 =	simm.s32 $0x0;
	s16 =	rddreg [dreg:$0xa]  }
0x4f: {  	[tilespmem:s15], [sflag:$0x5] =	stream.linear.gather [hbm4b:s16+s15], $0x50, $0x38;
	[tilespmem:$0x19200] =	vst v63  }
0x50: {  	s17 =	rddreg [dreg:$0xb]  }
0x51: {  	[tilespmem:s29], [sflag:$0x5] =	stream.linear.gather [hbm4b:s17+s15], $0x50, $0x38;
	[tilespmem:$0x19200] =	vst v63  }
0x52: {  	_ =	swait.ge [sflag:s30], $0x50  }
0x53: {  	[sflag:s30] =	ssyncset.done $0x0  }
0x54: {  	[sflag:s30] =	ssyncadd.s32 $0xFFFFFFB0  }
0x55: {  	_ =	swait.ge [sflag:s30], $0x50  }
0x56: {  	[sflag:s30] =	ssyncset.done $0x0  }
0x57: {  	[sflag:s30] =	ssyncadd.s32 $0xFFFFFFB0  }
0x58: {  	[tilespmem:s26], [sflag:$0x1] =	stream.indirect.gather [hbm4b:s4+s31], $0x80, s15, s31, $0xb8;
	[tilespmem:$0x19200] =	vst v63  }
0x59: {  	s18 =	rddreg [dreg:$0xc]  }
0x5a: {  	[tilespmem:s0], [sflag:$0x6] =	stream.linear.gather [hbm4b:s18+s15], $0x50, $0x38;
	[tilespmem:$0x19200] =	vst v63  }
0x5b: {  	s19 =	rddreg [dreg:$0xd]  }
0x5c: {  	[tilespmem:s2], [sflag:$0x6] =	stream.linear.gather [hbm4b:s19+s15], $0x50, $0x38;
	[tilespmem:$0x19200] =	vst v63  }
0x5d: {  	_ =	swait.ge [sflag:s8], $0x50  }
0x5e: {  	[sflag:s8] =	ssyncset.done $0x0  }
0x5f: {  	[sflag:s8] =	ssyncadd.s32 $0xFFFFFFB0  }
0x60: {  	_ =	swait.ge [sflag:s8], $0x50  }
0x61: {  	[sflag:s8] =	ssyncset.done $0x0  }
0x62: {  	[sflag:s8] =	ssyncadd.s32 $0xFFFFFFB0  }
0x63: {  	[tilespmem:s9], [sflag:$0x2] =	stream.indirect.gather [hbm4b:s4+s31], $0x80, s0, s31, $0xb8;
	[tilespmem:$0x19200] =	vst v63  }
0x64: {  	_ =	swait.ge [sflag:s10], $0x2800  }
0x65: {  	[sflag:s10] =	ssyncset.done $0x0  }
0x66: {  	[sflag:s10] =	ssyncadd.s32 $0xFFFFD800  }
0x67: {  	[spmem:s1] =	stream.indirect.scatter.add.f32 [tilespmem:s26], [sflag:$0x3], $0x80, s29, s31, $0xb8;
	[tilespmem:$0x19200] =	vst v63  }
0x68: {  	_ =	swait.ge [sflag:s11], $0x2800  }
0x69: {  	s17 =	sshrl.u32 s25, $0x3;
	[sflag:s11] =	ssyncset.done $0x0  }
0x6a: {  	s18 =	sadd.s32 s5, s17;
	[sflag:s11] =	ssyncadd.s32 $0xFFFFD800  }
0x6b: {  	[tilespmem:s3], [sflag:$0x5] =	stream.linear.gather [hbm4b:s18+s3], $0x50, $0x38;
	[tilespmem:$0x19200] =	vst v63  }
0x6c: {  	s15 =	sadd.s32 s6, s17  }
0x6d: {  	[tilespmem:s29], [sflag:$0x5] =	stream.linear.gather [hbm4b:s15+s3], $0x50, $0x38;
	[tilespmem:$0x19200] =	vst v63  }
0x6e: {  	_ =	swait.ge [sflag:s12], $0x2800  }
0x6f: {  	[sflag:s12] =	ssyncset.done $0x0  }
0x70: {  	[sflag:s12] =	ssyncadd.s32 $0xFFFFD800  }
0x71: {  	[spmem:s1] =	stream.indirect.scatter.add.f32 [tilespmem:s9], [sflag:$0x4], $0x80, s2, s31, $0xb8;
	[tilespmem:$0x19200] =	vst v63  }
0x72: {  	_ =	swait.ge [sflag:s30], $0x50  }
0x73: {  	[sflag:s30] =	ssyncset.done $0x0  }
0x74: {  	[sflag:s30] =	ssyncadd.s32 $0xFFFFFFB0  }
0x75: {  	_ =	swait.ge [sflag:s30], $0x50  }
0x76: {  	[sflag:s30] =	ssyncset.done $0x0  }
0x77: {  	[sflag:s30] =	ssyncadd.s32 $0xFFFFFFB0  }
0x78: {  	[tilespmem:s26], [sflag:$0x1] =	stream.indirect.gather [hbm4b:s4+s31], $0x80, s3, s31, $0xb8;
	[tilespmem:$0x19200] =	vst v63  }
0x79: {  	_ =	swait.ge [sflag:s13], $0x2800  }
0x7a: {  	s16 =	sadd.s32 $0xA0, s25;
	s19 =	sadd.s32 $0x0, s24;
	[sflag:s13] =	ssyncset.done $0x0  }
0x7b: {  	s17 =	sadd.s32 $0x0, s23;
	s15 =	simm.s32 $0x14;
	[sflag:s13] =	ssyncadd.s32 $0xFFFFD800  }
0x7c: {  	[tilespmem:s0], [sflag:$0x6] =	stream.linear.gather [hbm4b:s19+s3], $0x50, $0x38;
	[tilespmem:$0x19200] =	vst v63  }
.LBB2_4:
0x7d: {  	[tilespmem:s2], [sflag:$0x6] =	stream.linear.gather [hbm4b:s17+s3], $0x50, $0x38;
	[tilespmem:$0x19200] =	vst v63  }
0x7e: {  	s17 =	smov.u32 s15  }
0x7f: {  	p0 =	sne.s32 s15, $0x4B0;
	s15 =	sadd.s32 $0x14, s15;
	_ =	swait.ge [sflag:s8], $0x50  }
0x80: {  	[sflag:s8] =	ssyncset.done $0x0  }
0x81: {  	[sflag:s8] =	ssyncadd.s32 $0xFFFFFFB0  }
0x82: {  	_ =	swait.ge [sflag:s8], $0x50  }
0x83: {  	[sflag:s8] =	ssyncset.done $0x0  }
0x84: {  	[sflag:s8] =	ssyncadd.s32 $0xFFFFFFB0  }
0x85: {  	[tilespmem:s9], [sflag:$0x2] =	stream.indirect.gather [hbm4b:s4+s31], $0x80, s0, s31, $0xb8;
	[tilespmem:$0x19200] =	vst v63  }
0x86: {  	_ =	swait.ge [sflag:s10], $0x2800  }
0x87: {  	[sflag:s10] =	ssyncset.done $0x0  }
0x88: {  	[sflag:s10] =	ssyncadd.s32 $0xFFFFD800  }
0x89: {  	[spmem:s1] =	stream.indirect.scatter.add.f32 [tilespmem:s26], [sflag:$0x3], $0x80, s29, s31, $0xb8;
	[tilespmem:$0x19200] =	vst v63  }
0x8a: {  	_ =	swait.ge [sflag:s11], $0x2800  }
0x8b: {  	s18 =	sshrl.u32 s16, $0x3;
	[sflag:s11] =	ssyncset.done $0x0  }
0x8c: {  	s19 =	sadd.s32 s5, s18;
	[sflag:s11] =	ssyncadd.s32 $0xFFFFD800  }
0x8d: {  	[tilespmem:s3], [sflag:$0x5] =	stream.linear.gather [hbm4b:s19+s3], $0x50, $0x38;
	[tilespmem:$0x19200] =	vst v63  }
0x8e: {  	s18 =	sadd.s32 s6, s18  }
0x8f: {  	[tilespmem:s29], [sflag:$0x5] =	stream.linear.gather [hbm4b:s18+s3], $0x50, $0x38;
	[tilespmem:$0x19200] =	vst v63  }
0x90: {  	_ =	swait.ge [sflag:s12], $0x2800  }
0x91: {  	[sflag:s12] =	ssyncset.done $0x0  }
0x92: {  	[sflag:s12] =	ssyncadd.s32 $0xFFFFD800  }
0x93: {  	[spmem:s1] =	stream.indirect.scatter.add.f32 [tilespmem:s9], [sflag:$0x4], $0x80, s2, s31, $0xb8;
	[tilespmem:$0x19200] =	vst v63  }
0x94: {  	_ =	swait.ge [sflag:s30], $0x50  }
0x95: {  	[sflag:s30] =	ssyncset.done $0x0  }
0x96: {  	[sflag:s30] =	ssyncadd.s32 $0xFFFFFFB0  }
0x97: {  	_ =	swait.ge [sflag:s30], $0x50  }
0x98: {  	[sflag:s30] =	ssyncset.done $0x0  }
0x99: {  	[sflag:s30] =	ssyncadd.s32 $0xFFFFFFB0  }
0x9a: {  	[tilespmem:s26], [sflag:$0x1] =	stream.indirect.gather [hbm4b:s4+s31], $0x80, s3, s31, $0xb8;
	[tilespmem:$0x19200] =	vst v63  }
.Ltmp1:
0x9b: {  	_ =	swait.ge [sflag:s13], $0x2800;
	(pc) =	sbr.rel @p0 .LBB2_4-.Ltmp1, $4  }
0x9c: {  	[sflag:s13] =	ssyncset.done $0x0  }
0x9d: {  	s18 =	sadd.s32 s17, s24;
	[sflag:s13] =	ssyncadd.s32 $0xFFFFD800  }
0x9e: {  	[tilespmem:s0], [sflag:$0x6] =	stream.linear.gather [hbm4b:s18+s3], $0x50, $0x38;
	[tilespmem:$0x19200] =	vst v63  }
0x9f: {  	s16 =	sadd.s32 $0xA0, s16;
	s17 =	sadd.s32 s17, s23  }
0xa0: {  	[tilespmem:s2], [sflag:$0x6] =	stream.linear.gather [hbm4b:s17+s3], $0x50, $0x38;
	[tilespmem:$0x19200] =	vst v63  }
0xa1: {  	_ =	swait.ge [sflag:s8], $0x50  }
0xa2: {  	[sflag:s8] =	ssyncset.done $0x0  }
0xa3: {  	[sflag:s8] =	ssyncadd.s32 $0xFFFFFFB0  }
0xa4: {  	_ =	swait.ge [sflag:s8], $0x50  }
0xa5: {  	[sflag:s8] =	ssyncset.done $0x0  }
0xa6: {  	[sflag:s8] =	ssyncadd.s32 $0xFFFFFFB0  }
0xa7: {  	[tilespmem:s9], [sflag:$0x2] =	stream.indirect.gather [hbm4b:s4+s31], $0x80, s0, s31, $0xb8;
	[tilespmem:$0x19200] =	vst v63  }
0xa8: {  	_ =	swait.ge [sflag:s10], $0x2800  }
0xa9: {  	[sflag:s10] =	ssyncset.done $0x0  }
0xaa: {  	[sflag:s10] =	ssyncadd.s32 $0xFFFFD800  }
0xab: {  	[spmem:s1] =	stream.indirect.scatter.add.f32 [tilespmem:s26], [sflag:$0x3], $0x80, s29, s31, $0xb8;
	[tilespmem:$0x19200] =	vst v63  }
0xac: {  	_ =	swait.ge [sflag:s11], $0x2800  }
0xad: {  	[sflag:s11] =	ssyncset.done $0x0  }
0xae: {  	[sflag:s11] =	ssyncadd.s32 $0xFFFFD800  }
0xaf: {  	[tilespmem:s3], [sflag:$0x5] =	stream.linear.gather [hbm4b:s21+s3], $0x50, $0x38;
	[tilespmem:$0x19200] =	vst v63  }
0xb0: {  	_ = 	snop  }
0xb1: {  	[tilespmem:s29], [sflag:$0x5] =	stream.linear.gather [hbm4b:s22+s3], $0x50, $0x38;
	[tilespmem:$0x19200] =	vst v63  }
0xb2: {  	_ =	swait.ge [sflag:s12], $0x2800  }
0xb3: {  	[sflag:s12] =	ssyncset.done $0x0  }
0xb4: {  	[sflag:s12] =	ssyncadd.s32 $0xFFFFD800  }
0xb5: {  	[spmem:s1] =	stream.indirect.scatter.add.f32 [tilespmem:s9], [sflag:$0x4], $0x80, s2, s31, $0xb8;
	[tilespmem:$0x19200] =	vst v63  }
0xb6: {  	_ =	swait.ge [sflag:s30], $0x50  }
0xb7: {  	[sflag:s30] =	ssyncset.done $0x0  }
0xb8: {  	[sflag:s30] =	ssyncadd.s32 $0xFFFFFFB0  }
0xb9: {  	_ =	swait.ge [sflag:s30], $0x50  }
0xba: {  	[sflag:s30] =	ssyncset.done $0x0  }
0xbb: {  	[sflag:s30] =	ssyncadd.s32 $0xFFFFFFB0  }
0xbc: {  	[tilespmem:s26], [sflag:$0x1] =	stream.indirect.gather [hbm4b:s4+s31], $0x80, s3, s31, $0xb8;
	[tilespmem:$0x19200] =	vst v63  }
0xbd: {  	_ =	swait.ge [sflag:s13], $0x2800  }
0xbe: {  	[sflag:s13] =	ssyncset.done $0x0  }
0xbf: {  	[sflag:s13] =	ssyncadd.s32 $0xFFFFD800  }
0xc0: {  	_ =	swait.ge [sflag:s10], $0x2800  }
0xc1: {  	[sflag:s10] =	ssyncset.done $0x0  }
0xc2: {  	[sflag:s10] =	ssyncadd.s32 $0xFFFFD800  }
0xc3: {  	[spmem:s1] =	stream.indirect.scatter.add.f32 [tilespmem:s26], [sflag:$0x7], $0x80, s29, s31, $0xb8;
	[tilespmem:$0x19200] =	vst v63  }
0xc4: {  	_ =	swait.ge [sflag:s28], $0x2800  }
0xc5: {  	s15 =	stileid.u32;
	[sflag:s28] =	ssyncset.done $0x0  }
0xc6: {  	s16 =	sshrl.u32 s7, $0x3;
	s14 =	sadd.s32 $0x1, s14;
	[sflag:s28] =	ssyncadd.s32 $0xFFFFD800  }
0xc7: {  	s15 =	sshll.u32 s15, $0x6;
	p0 =	sne.s32 s14, s20;
	[bflag:$0x0] =	sbarrier.arrive $0xFFFF  }
.Ltmp2:
0xc8: {  	s15 =	sor.u32 $0x1C07, s15;
	s19 =	rddreg [dreg:$0xe];
	(pc) =	sbr.rel @p0 .LBB2_1-.Ltmp2, $4  }
0xc9: {  	[hbm:s19], [sflag:s15] =	dma.local [spmem:s16], $0x2800  }
0xca: {  	_ =	swait.ge [sflag:s28], $0x2800  }
0xcb: {  	[sflag:s28] =	ssyncset.done $0x0  }
0xcc: {  	[sflag:s28] =	ssyncadd.s32 $0xFFFFD800  }
0xcd: {  	_ =	sfence.sel $0x180000  }
0xce: {  	[bflag:$0x0] =	sbarrier.arrive $0xFFFF  }
0xcf: {  	_ =	strace $0x9000004A  }
0xd0: {  	s0 =	stileid.u32;
	[bflag:$0x2] =	sbarrier.arrive $0xFFFF  }
0xd1: {  	p0 =	sne.s32 s0, $0x0;
	s0 =	rddreg [dreg:$0x2]  }
0xd2: {  	s0 =	sadd.s32 @!p0 $0x100000, s0  }
0xd3: {  	[sflag:s0] =	ssyncadd.tile.s32 @!p0 $0x1;
	_ =	shalt  }
.Lfunc_end2:
_tile_overlayer_lowered:
.L_overlay_start_2:
0xd4: {  	(tag) =	ssettag $0x2  }
0xd5: {  	s0 =	rddreg [dreg:$0x0];
	s2 =	stileid.u32  }
0xd6: {  	s1 =	rddreg [dreg:$0x1];
	p0 =	sne.s32 s2, $0x0  }
0xd7: {  	s3 =	rddreg [dreg:$0x2];
	[bflag:$0x3] =	sbarrier.arrive $0xFFFF;
	s2 =	simm.s32 @!p0 $0x1C07  }
0xd8: {  	[timem:s3], [sflag:s2] =	dma.local @!p0 [hbm:s0], s1  }
0xd9: {  	s0 =	simm.s32 @!p0 $0x7  }
0xda: {  	_ =	swait.ge @!p0 [sflag:s0], s1  }
0xdb: {  	s1 =	ssub.s32 @!p0 $0x0, s1;
	[sflag:s0] =	ssyncset.done @!p0 $0x0  }
0xdc: {  	[sflag:s0] =	ssyncadd.s32 @!p0 s1  }
0xdd: {  	[bflag:$0x3] =	sbarrier.arrive $0xFFFF  }
0xde: {  	_ =	shalt  }

</sc_bundles>
